<compile_context>
chip_gen: v7x
topology: tpu7x:2x2x1
jax: 0.10.2.dev20260603
libtpu: 0.0.44.dev20260713+nightly
codegen_flags: <defaults>
</compile_context>

<pallas_src>
import functools

import jax
import jax.numpy as jnp
from jax import lax
from jax.experimental import pallas as pl
from jax.experimental.pallas import tpu as pltpu
from jax.experimental.pallas import tpu_sc as plsc

_LANES = 16


def _rsqrt_newton(x):
    i = lax.bitcast_convert_type(x, jnp.int32)
    i = jnp.int32(0x5F3759DF) - lax.shift_right_logical(i, 1)
    y = lax.bitcast_convert_type(i, jnp.float32)
    for _ in range(3):
        y = y * (1.5 - 0.5 * x * y * y)
    return y


def _make_gather_norm(L, B, C, HW, NP):
    ROWS = L * B * NP
    NW = 32
    RPW = ROWS // NW
    CHUNKS = C // _LANES
    mesh = plsc.VectorSubcoreMesh(core_axis_name="c", subcore_axis_name="s")

    @functools.partial(
        pl.kernel,
        out_type=jax.ShapeDtypeStruct((ROWS * C,), jnp.float32),
        mesh=mesh,
        compiler_params=pltpu.CompilerParams(
            needs_layout_passes=False, disable_bounds_checks=True),
        scratch_types=[
            pltpu.VMEM((RPW,), jnp.int32),
            pltpu.VMEM((RPW * C,), jnp.int32),
            pltpu.VMEM((RPW * C,), jnp.float32),
            pltpu.SemaphoreType.DMA,
        ],
    )
    def gather_norm(feats_hbm, pids_hbm, out_hbm, pid_v, idx_v, rows_v, sem):
        wid = lax.axis_index("s") * 2 + lax.axis_index("c")
        r0 = wid * RPW
        g = r0 // NP
        n0 = r0 % NP
        lvl = g // B
        base = g * (C * HW)

        pltpu.sync_copy(pids_hbm.at[pl.ds(lvl * NP + n0, RPW)], pid_v)

        def build(j4, carry):
            iota = lax.broadcasted_iota(jnp.int32, (_LANES,), 0)
            for sub in range(4):
                j = j4 * 4 + sub
                p = plsc.load_gather(
                    pid_v, [jnp.full((_LANES,), j, jnp.int32)])
                cbase = iota * HW + base + p
                off = j * C
                for k in range(CHUNKS):
                    idx_v[pl.ds(off + k * _LANES, _LANES)] = (
                        cbase + (k * _LANES * HW))
            return carry

        lax.fori_loop(0, RPW // 4, build, 0, unroll=False)

        pltpu.async_copy(feats_hbm.at[idx_v], rows_v, sem).wait()

        def norm(j4, carry):
            offs = [(j4 * 4 + sub) * C for sub in range(4)]
            accs = [jnp.zeros((_LANES,), jnp.float32) for _ in range(4)]
            for k in range(CHUNKS):
                for sub in range(4):
                    v = rows_v[pl.ds(offs[sub] + k * _LANES, _LANES)]
                    accs[sub] = accs[sub] + v * v
            rs = []
            for sub in range(4):
                s = jnp.full((_LANES,), jnp.sum(accs[sub]))
                y = _rsqrt_newton(s)
                d = s * y + 1e-7
                y2 = _rsqrt_newton(d)
                rs.append(y2 * y2)
            for k in range(CHUNKS):
                for sub in range(4):
                    rows_v[pl.ds(offs[sub] + k * _LANES, _LANES)] = (
                        rows_v[pl.ds(offs[sub] + k * _LANES, _LANES)]
                        * rs[sub])
            return carry

        lax.fori_loop(0, RPW // 4, norm, 0, unroll=False)

        pltpu.sync_copy(rows_v, out_hbm.at[pl.ds(r0 * C, RPW * C)])

    return gather_norm


def kernel(feats, num_patches, patch_ids):
    L, B, C, H, W = feats.shape
    NP = patch_ids.shape[1]
    HW = H * W
    feats_flat = feats.reshape(-1)
    pids_flat = patch_ids.astype(jnp.int32).reshape(-1)
    out = _make_gather_norm(L, B, C, HW, NP)(feats_flat, pids_flat)
    return out.reshape(L, B * NP, C), patch_ids

# --- scband reference (transcript-rebuilt; emitter-appended) ---
"""Pipeline reference for scband-sky-lake-f-63127429316838 (READ-ONLY COPY).

The authoritative reference and input builder live on the scoring server;
editing this copy changes nothing except your own understanding.
"""

import jax, jax.numpy as jnp
import numpy as np


def setup_inputs(seed: int = 0) -> dict:
    key = jax.random.key(seed)
    k1, k2 = jax.random.split(key)
    feats = jax.random.normal(k1, (4, 2, 256, 128, 128), dtype=jnp.float32)
    patch_ids = jax.random.randint(k2, (4, 256), 0, 16384, dtype=jnp.int64)
    return {"feats": feats, "num_patches": 256, "patch_ids": patch_ids}


def reference(feats, num_patches, patch_ids):
    # Faithful translation of SkyLake_F.forward with use_mlp=False.
    # feats: [L, B, C, H, W]; iterate over L levels like the list iteration.
    return_feats = []
    return_ids = []
    L = feats.shape[0]
    n_patches = patch_ids.shape[1]
    id_zero = jnp.asarray(num_patches, dtype=patch_ids.dtype) * 0
    for feat_id in range(L):
        feat = feats[feat_id]  # [B, C, H, W]
        B, C, H, W = feat.shape
        # permute(0,2,3,1).flatten(1,2) -> [B, H*W, C]
        feat_reshape = jnp.transpose(feat, (0, 2, 3, 1)).reshape(B, H * W, C)
        patch_id = patch_ids[feat_id]  # [num_patches] int
        # gather: feat_reshape[:, patch_id, :] -> [B, num_patches, C], then flatten(0,1)
        x_sample = jnp.take(feat_reshape, patch_id, axis=1).reshape(B * n_patches, C)
        # Normalize(power=2): x / (sum(x^2, dim=1, keepdim)^(1/2) + 1e-7)
        norm = jnp.power(jnp.sum(jnp.power(x_sample, 2.0), axis=1, keepdims=True), 0.5)
        x_sample = x_sample / (norm + 1e-07)
        return_feats.append(x_sample)
        return_ids.append(patch_id + id_zero)
    return (jnp.stack(return_feats, axis=0), jnp.stack(return_ids, axis=0))

if __name__ == "__main__":
    import jax
    _d = setup_inputs()
    print(jax.jit(kernel)(*tuple(_d.values())))

</pallas_src>

<mosaic_0001>
#map = affine_map<(d0, d1) -> (0)>
module attributes {stable_mosaic.version = 14 : i64} {
  func.func @gather_norm(%arg0: i32, %arg1: i32, %arg2: memref<33554432xf32, #tpu.memory_space<hbm>>, %arg3: memref<1024xi32, #tpu.memory_space<hbm>>, %arg4: memref<524288xf32, #tpu.memory_space<hbm>>, %arg5: memref<64xi32, #tpu.memory_space<vmem>>, %arg6: memref<16384xi32, #tpu.memory_space<vmem>>, %arg7: memref<16384xf32, #tpu.memory_space<vmem>>, %arg8: memref<!tpu.dma_semaphore, #tpu.memory_space<semaphore_mem>>) attributes {dimension_semantics = [#tpu.dimension_semantics<core_parallel>, #tpu.dimension_semantics<subcore_parallel>], iteration_bounds = array<i64: 2, 16>, scalar_prefetch = 0 : i64, scratch_operands = 4 : i64, tpu.core_type = #tpu.core_type<sc_vector_subcore>, window_params = [{transform_indices = #map}, {transform_indices = #map}, {transform_indices = #map}]} {
    %mul3A = arith.constant 2 : i32
    %mul3A_0 = arith.muli %arg1, %mul3A : i32
    %add3A = arith.addi %mul3A_0, %arg0 : i32
    %mul3A_1 = arith.constant 64 : i32
    %mul3A_2 = arith.muli %add3A, %mul3A_1 : i32
    %jit3A = arith.constant 256 : i32
    %div3A = arith.divsi %mul3A_2, %jit3A : i32
    %sign3A = arith.constant 0 : i32
    %sign3A_3 = arith.cmpi sgt, %mul3A_2, %sign3A : i32
    %sign3A_4 = arith.extui %sign3A_3 : i1 to i32
    %sign3A_5 = arith.constant 0 : i32
    %sign3A_6 = arith.cmpi slt, %mul3A_2, %sign3A_5 : i32
    %sign3A_7 = arith.extui %sign3A_6 : i1 to i32
    %sign3A_8 = arith.subi %sign3A_4, %sign3A_7 : i32
    %sign3A_9 = arith.constant 0 : i32
    %sign3A_10 = arith.cmpi sgt, %jit3A, %sign3A_9 : i32
    %sign3A_11 = arith.extui %sign3A_10 : i1 to i32
    %sign3A_12 = arith.constant 0 : i32
    %sign3A_13 = arith.cmpi slt, %jit3A, %sign3A_12 : i32
    %sign3A_14 = arith.extui %sign3A_13 : i1 to i32
    %sign3A_15 = arith.subi %sign3A_11, %sign3A_14 : i32
    %ne3A = arith.cmpi ne, %sign3A_8, %sign3A_15 : i32
    %rem3A = arith.remsi %mul3A_2, %jit3A : i32
    %ne3A_16 = arith.constant 0 : i32
    %ne3A_17 = arith.cmpi ne, %rem3A, %ne3A_16 : i32
    %and3A = arith.andi %ne3A, %ne3A_17 : i1
    %sub3A = arith.constant 1 : i32
    %sub3A_18 = arith.subi %div3A, %sub3A : i32
    %select_n3A = arith.select %and3A, %sub3A_18, %div3A : i32
    %jit3A_19 = arith.constant 256 : i32
    %eq3A = arith.constant 0 : i32
    %eq3A_20 = arith.cmpi eq, %jit3A_19, %eq3A : i32
    %jit3A_21 = arith.constant 1 : i32
    %select_n3A_22 = arith.select %eq3A_20, %jit3A_21, %jit3A_19 : i32
    %rem3A_23 = arith.remsi %mul3A_2, %select_n3A_22 : i32
    %ne3A_24 = arith.constant 0 : i32
    %ne3A_25 = arith.cmpi ne, %rem3A_23, %ne3A_24 : i32
    %lt3A = arith.constant 0 : i32
    %lt3A_26 = arith.cmpi slt, %rem3A_23, %lt3A : i32
    %lt3A_27 = arith.constant 0 : i32
    %lt3A_28 = arith.cmpi slt, %select_n3A_22, %lt3A_27 : i32
    %ne3A_29 = arith.xori %lt3A_26, %lt3A_28 : i1
    %and3A_30 = arith.andi %ne3A_29, %ne3A_25 : i1
    %add3A_31 = arith.addi %rem3A_23, %select_n3A_22 : i32
    %select_n3A_32 = arith.select %and3A_30, %add3A_31, %rem3A_23 : i32
    %jit3A_33 = arith.constant 2 : i32
    %div3A_34 = arith.divsi %select_n3A, %jit3A_33 : i32
    %sign3A_35 = arith.constant 0 : i32
    %sign3A_36 = arith.cmpi sgt, %select_n3A, %sign3A_35 : i32
    %sign3A_37 = arith.extui %sign3A_36 : i1 to i32
    %sign3A_38 = arith.constant 0 : i32
    %sign3A_39 = arith.cmpi slt, %select_n3A, %sign3A_38 : i32
    %sign3A_40 = arith.extui %sign3A_39 : i1 to i32
    %sign3A_41 = arith.subi %sign3A_37, %sign3A_40 : i32
    %sign3A_42 = arith.constant 0 : i32
    %sign3A_43 = arith.cmpi sgt, %jit3A_33, %sign3A_42 : i32
    %sign3A_44 = arith.extui %sign3A_43 : i1 to i32
    %sign3A_45 = arith.constant 0 : i32
    %sign3A_46 = arith.cmpi slt, %jit3A_33, %sign3A_45 : i32
    %sign3A_47 = arith.extui %sign3A_46 : i1 to i32
    %sign3A_48 = arith.subi %sign3A_44, %sign3A_47 : i32
    %ne3A_49 = arith.cmpi ne, %sign3A_41, %sign3A_48 : i32
    %rem3A_50 = arith.remsi %select_n3A, %jit3A_33 : i32
    %ne3A_51 = arith.constant 0 : i32
    %ne3A_52 = arith.cmpi ne, %rem3A_50, %ne3A_51 : i32
    %and3A_53 = arith.andi %ne3A_49, %ne3A_52 : i1
    %sub3A_54 = arith.constant 1 : i32
    %sub3A_55 = arith.subi %div3A_34, %sub3A_54 : i32
    %select_n3A_56 = arith.select %and3A_53, %sub3A_55, %div3A_34 : i32
    %mul3A_57 = arith.constant 4194304 : i32
    %mul3A_58 = arith.muli %select_n3A, %mul3A_57 : i32
    %mul3A_59 = arith.constant 256 : i32
    %mul3A_60 = arith.muli %select_n3A_56, %mul3A_59 : i32
    %add3A_61 = arith.addi %mul3A_60, %select_n3A_32 : i32
    "tpu.region"() ({
      %run_scoped3A = tpu.sem_alloc : memref<!tpu.dma_semaphore, #tpu.memory_space<semaphore_mem>>
      %dma_start3A_77 = tpu.memref_slice %arg3[%add3A_61] : memref<1024xi32, #tpu.memory_space<hbm>> -> memref<64xi32, #tpu.memory_space<hbm>>
      %dma_start3A_78 = tpu.memref_slice %arg3[%add3A_61] : memref<1024xi32, #tpu.memory_space<hbm>> -> memref<64xi32, #tpu.memory_space<hbm>>
      tpu.enqueue_dma source(%dma_start3A_78 : memref<64xi32, #tpu.memory_space<hbm>>) target(%arg5 : memref<64xi32, #tpu.memory_space<vmem>>) target_semaphore(%run_scoped3A : memref<!tpu.dma_semaphore, #tpu.memory_space<semaphore_mem>>)
      %dma_wait3A_79 = tpu.memref_slice %arg3[%add3A_61] : memref<1024xi32, #tpu.memory_space<hbm>> -> memref<64xi32, #tpu.memory_space<hbm>>
      %dma_wait3A_80 = tpu.memref_slice %arg3[%add3A_61] : memref<1024xi32, #tpu.memory_space<hbm>> -> memref<64xi32, #tpu.memory_space<hbm>>
      tpu.wait_dma2 semaphore(%run_scoped3A : memref<!tpu.dma_semaphore, #tpu.memory_space<semaphore_mem>>) src(%dma_wait3A_80 : memref<64xi32, #tpu.memory_space<hbm>>) dst(%arg5 : memref<64xi32, #tpu.memory_space<vmem>>)
      tpu.yield
    }) : () -> ()
    %scan3A = arith.constant 0 : i32
    %scan3A_62 = arith.constant 0 : i32
    %scan3A_63 = arith.constant 16 : i32
    %scan3A_64 = arith.addi %scan3A_62, %scan3A_63 : i32
    %scan3A_65 = arith.constant 1 : i32
    scf.for %scan3A_77 = %scan3A_62 to %scan3A_64 step %scan3A_65  : i32 {
      %iota3A = tpu.iota {dimensions = array<i32: 0>} : vector<16xi32>
      %mul3A_78 = arith.constant 4 : i32
      %mul3A_79 = arith.muli %scan3A_77, %mul3A_78 : i32
      %add3A_80 = arith.constant 0 : i32
      %add3A_81 = arith.addi %mul3A_79, %add3A_80 : i32
      %broadcast_in_dim3A = vector.broadcast %add3A_81 : i32 to vector<16xi32>
      %gather3A = tpu.vector_load_idx %arg5[%broadcast_in_dim3A] : memref<64xi32, #tpu.memory_space<vmem>>[vector<16xi32>], vector<16xi32>,
      %mul3A_82 = arith.constant 16384 : i32
      %mul3A_83 = vector.broadcast %mul3A_82 : i32 to vector<16xi32>
      %mul3A_84 = arith.muli %iota3A, %mul3A_83 : vector<16xi32>
      %add3A_85 = vector.broadcast %mul3A_58 : i32 to vector<16xi32>
      %add3A_86 = arith.addi %mul3A_84, %add3A_85 : vector<16xi32>
      %add3A_87 = arith.addi %add3A_86, %gather3A : vector<16xi32>
      %mul3A_88 = arith.constant 256 : i32
      %mul3A_89 = arith.muli %add3A_81, %mul3A_88 : i32
      %add3A_90 = arith.constant 0 : i32
      %add3A_91 = vector.broadcast %add3A_90 : i32 to vector<16xi32>
      %add3A_92 = arith.addi %add3A_87, %add3A_91 : vector<16xi32>
      %add3A_93 = arith.constant 0 : i32
      %add3A_94 = arith.addi %mul3A_89, %add3A_93 : i32
      %swap3A = arith.index_cast %add3A_94 : i32 to index
      %swap3A_95 = tpu.vector_load %arg6[%swap3A] {strides = array<i32>} : memref<16384xi32, #tpu.memory_space<vmem>>, vector<16xi32>,
      tpu.vector_store %arg6[%swap3A], %add3A_92 {strides = array<i32>} : memref<16384xi32, #tpu.memory_space<vmem>>, vector<16xi32>,
      %add3A_96 = arith.constant 262144 : i32
      %add3A_97 = vector.broadcast %add3A_96 : i32 to vector<16xi32>
      %add3A_98 = arith.addi %add3A_87, %add3A_97 : vector<16xi32>
      %add3A_99 = arith.constant 16 : i32
      %add3A_100 = arith.addi %mul3A_89, %add3A_99 : i32
      %swap3A_101 = arith.index_cast %add3A_100 : i32 to index
      %swap3A_102 = tpu.vector_load %arg6[%swap3A_101] {strides = array<i32>} : memref<16384xi32, #tpu.memory_space<vmem>>, vector<16xi32>,
      tpu.vector_store %arg6[%swap3A_101], %add3A_98 {strides = array<i32>} : memref<16384xi32, #tpu.memory_space<vmem>>, vector<16xi32>,
      %add3A_103 = arith.constant 524288 : i32
      %add3A_104 = vector.broadcast %add3A_103 : i32 to vector<16xi32>
      %add3A_105 = arith.addi %add3A_87, %add3A_104 : vector<16xi32>
      %add3A_106 = arith.constant 32 : i32
      %add3A_107 = arith.addi %mul3A_89, %add3A_106 : i32
      %swap3A_108 = arith.index_cast %add3A_107 : i32 to index
      %swap3A_109 = tpu.vector_load %arg6[%swap3A_108] {strides = array<i32>} : memref<16384xi32, #tpu.memory_space<vmem>>, vector<16xi32>,
      tpu.vector_store %arg6[%swap3A_108], %add3A_105 {strides = array<i32>} : memref<16384xi32, #tpu.memory_space<vmem>>, vector<16xi32>,
      %add3A_110 = arith.constant 786432 : i32
      %add3A_111 = vector.broadcast %add3A_110 : i32 to vector<16xi32>
      %add3A_112 = arith.addi %add3A_87, %add3A_111 : vector<16xi32>
      %add3A_113 = arith.constant 48 : i32
      %add3A_114 = arith.addi %mul3A_89, %add3A_113 : i32
      %swap3A_115 = arith.index_cast %add3A_114 : i32 to index
      %swap3A_116 = tpu.vector_load %arg6[%swap3A_115] {strides = array<i32>} : memref<16384xi32, #tpu.memory_space<vmem>>, vector<16xi32>,
      tpu.vector_store %arg6[%swap3A_115], %add3A_112 {strides = array<i32>} : memref<16384xi32, #tpu.memory_space<vmem>>, vector<16xi32>,
      %add3A_117 = arith.constant 1048576 : i32
      %add3A_118 = vector.broadcast %add3A_117 : i32 to vector<16xi32>
      %add3A_119 = arith.addi %add3A_87, %add3A_118 : vector<16xi32>
      %add3A_120 = arith.constant 64 : i32
      %add3A_121 = arith.addi %mul3A_89, %add3A_120 : i32
      %swap3A_122 = arith.index_cast %add3A_121 : i32 to index
      %swap3A_123 = tpu.vector_load %arg6[%swap3A_122] {strides = array<i32>} : memref<16384xi32, #tpu.memory_space<vmem>>, vector<16xi32>,
      tpu.vector_store %arg6[%swap3A_122], %add3A_119 {strides = array<i32>} : memref<16384xi32, #tpu.memory_space<vmem>>, vector<16xi32>,
      %add3A_124 = arith.constant 1310720 : i32
      %add3A_125 = vector.broadcast %add3A_124 : i32 to vector<16xi32>
      %add3A_126 = arith.addi %add3A_87, %add3A_125 : vector<16xi32>
      %add3A_127 = arith.constant 80 : i32
      %add3A_128 = arith.addi %mul3A_89, %add3A_127 : i32
      %swap3A_129 = arith.index_cast %add3A_128 : i32 to index
      %swap3A_130 = tpu.vector_load %arg6[%swap3A_129] {strides = array<i32>} : memref<16384xi32, #tpu.memory_space<vmem>>, vector<16xi32>,
      tpu.vector_store %arg6[%swap3A_129], %add3A_126 {strides = array<i32>} : memref<16384xi32, #tpu.memory_space<vmem>>, vector<16xi32>,
      %add3A_131 = arith.constant 1572864 : i32
      %add3A_132 = vector.broadcast %add3A_131 : i32 to vector<16xi32>
      %add3A_133 = arith.addi %add3A_87, %add3A_132 : vector<16xi32>
      %add3A_134 = arith.constant 96 : i32
      %add3A_135 = arith.addi %mul3A_89, %add3A_134 : i32
      %swap3A_136 = arith.index_cast %add3A_135 : i32 to index
      %swap3A_137 = tpu.vector_load %arg6[%swap3A_136] {strides = array<i32>} : memref<16384xi32, #tpu.memory_space<vmem>>, vector<16xi32>,
      tpu.vector_store %arg6[%swap3A_136], %add3A_133 {strides = array<i32>} : memref<16384xi32, #tpu.memory_space<vmem>>, vector<16xi32>,
      %add3A_138 = arith.constant 1835008 : i32
      %add3A_139 = vector.broadcast %add3A_138 : i32 to vector<16xi32>
      %add3A_140 = arith.addi %add3A_87, %add3A_139 : vector<16xi32>
      %add3A_141 = arith.constant 112 : i32
      %add3A_142 = arith.addi %mul3A_89, %add3A_141 : i32
      %swap3A_143 = arith.index_cast %add3A_142 : i32 to index
      %swap3A_144 = tpu.vector_load %arg6[%swap3A_143] {strides = array<i32>} : memref<16384xi32, #tpu.memory_space<vmem>>, vector<16xi32>,
      tpu.vector_store %arg6[%swap3A_143], %add3A_140 {strides = array<i32>} : memref<16384xi32, #tpu.memory_space<vmem>>, vector<16xi32>,
      %add3A_145 = arith.constant 2097152 : i32
      %add3A_146 = vector.broadcast %add3A_145 : i32 to vector<16xi32>
      %add3A_147 = arith.addi %add3A_87, %add3A_146 : vector<16xi32>
      %add3A_148 = arith.constant 128 : i32
      %add3A_149 = arith.addi %mul3A_89, %add3A_148 : i32
      %swap3A_150 = arith.index_cast %add3A_149 : i32 to index
      %swap3A_151 = tpu.vector_load %arg6[%swap3A_150] {strides = array<i32>} : memref<16384xi32, #tpu.memory_space<vmem>>, vector<16xi32>,
      tpu.vector_store %arg6[%swap3A_150], %add3A_147 {strides = array<i32>} : memref<16384xi32, #tpu.memory_space<vmem>>, vector<16xi32>,
      %add3A_152 = arith.constant 2359296 : i32
      %add3A_153 = vector.broadcast %add3A_152 : i32 to vector<16xi32>
      %add3A_154 = arith.addi %add3A_87, %add3A_153 : vector<16xi32>
      %add3A_155 = arith.constant 144 : i32
      %add3A_156 = arith.addi %mul3A_89, %add3A_155 : i32
      %swap3A_157 = arith.index_cast %add3A_156 : i32 to index
      %swap3A_158 = tpu.vector_load %arg6[%swap3A_157] {strides = array<i32>} : memref<16384xi32, #tpu.memory_space<vmem>>, vector<16xi32>,
      tpu.vector_store %arg6[%swap3A_157], %add3A_154 {strides = array<i32>} : memref<16384xi32, #tpu.memory_space<vmem>>, vector<16xi32>,
      %add3A_159 = arith.constant 2621440 : i32
      %add3A_160 = vector.broadcast %add3A_159 : i32 to vector<16xi32>
      %add3A_161 = arith.addi %add3A_87, %add3A_160 : vector<16xi32>
      %add3A_162 = arith.constant 160 : i32
      %add3A_163 = arith.addi %mul3A_89, %add3A_162 : i32
      %swap3A_164 = arith.index_cast %add3A_163 : i32 to index
      %swap3A_165 = tpu.vector_load %arg6[%swap3A_164] {strides = array<i32>} : memref<16384xi32, #tpu.memory_space<vmem>>, vector<16xi32>,
      tpu.vector_store %arg6[%swap3A_164], %add3A_161 {strides = array<i32>} : memref<16384xi32, #tpu.memory_space<vmem>>, vector<16xi32>,
      %add3A_166 = arith.constant 2883584 : i32
      %add3A_167 = vector.broadcast %add3A_166 : i32 to vector<16xi32>
      %add3A_168 = arith.addi %add3A_87, %add3A_167 : vector<16xi32>
      %add3A_169 = arith.constant 176 : i32
      %add3A_170 = arith.addi %mul3A_89, %add3A_169 : i32
      %swap3A_171 = arith.index_cast %add3A_170 : i32 to index
      %swap3A_172 = tpu.vector_load %arg6[%swap3A_171] {strides = array<i32>} : memref<16384xi32, #tpu.memory_space<vmem>>, vector<16xi32>,
      tpu.vector_store %arg6[%swap3A_171], %add3A_168 {strides = array<i32>} : memref<16384xi32, #tpu.memory_space<vmem>>, vector<16xi32>,
      %add3A_173 = arith.constant 3145728 : i32
      %add3A_174 = vector.broadcast %add3A_173 : i32 to vector<16xi32>
      %add3A_175 = arith.addi %add3A_87, %add3A_174 : vector<16xi32>
      %add3A_176 = arith.constant 192 : i32
      %add3A_177 = arith.addi %mul3A_89, %add3A_176 : i32
      %swap3A_178 = arith.index_cast %add3A_177 : i32 to index
      %swap3A_179 = tpu.vector_load %arg6[%swap3A_178] {strides = array<i32>} : memref<16384xi32, #tpu.memory_space<vmem>>, vector<16xi32>,
      tpu.vector_store %arg6[%swap3A_178], %add3A_175 {strides = array<i32>} : memref<16384xi32, #tpu.memory_space<vmem>>, vector<16xi32>,
      %add3A_180 = arith.constant 3407872 : i32
      %add3A_181 = vector.broadcast %add3A_180 : i32 to vector<16xi32>
      %add3A_182 = arith.addi %add3A_87, %add3A_181 : vector<16xi32>
      %add3A_183 = arith.constant 208 : i32
      %add3A_184 = arith.addi %mul3A_89, %add3A_183 : i32
      %swap3A_185 = arith.index_cast %add3A_184 : i32 to index
      %swap3A_186 = tpu.vector_load %arg6[%swap3A_185] {strides = array<i32>} : memref<16384xi32, #tpu.memory_space<vmem>>, vector<16xi32>,
      tpu.vector_store %arg6[%swap3A_185], %add3A_182 {strides = array<i32>} : memref<16384xi32, #tpu.memory_space<vmem>>, vector<16xi32>,
      %add3A_187 = arith.constant 3670016 : i32
      %add3A_188 = vector.broadcast %add3A_187 : i32 to vector<16xi32>
      %add3A_189 = arith.addi %add3A_87, %add3A_188 : vector<16xi32>
      %add3A_190 = arith.constant 224 : i32
      %add3A_191 = arith.addi %mul3A_89, %add3A_190 : i32
      %swap3A_192 = arith.index_cast %add3A_191 : i32 to index
      %swap3A_193 = tpu.vector_load %arg6[%swap3A_192] {strides = array<i32>} : memref<16384xi32, #tpu.memory_space<vmem>>, vector<16xi32>,
      tpu.vector_store %arg6[%swap3A_192], %add3A_189 {strides = array<i32>} : memref<16384xi32, #tpu.memory_space<vmem>>, vector<16xi32>,
      %add3A_194 = arith.constant 3932160 : i32
      %add3A_195 = vector.broadcast %add3A_194 : i32 to vector<16xi32>
      %add3A_196 = arith.addi %add3A_87, %add3A_195 : vector<16xi32>
      %add3A_197 = arith.constant 240 : i32
      %add3A_198 = arith.addi %mul3A_89, %add3A_197 : i32
      %swap3A_199 = arith.index_cast %add3A_198 : i32 to index
      %swap3A_200 = tpu.vector_load %arg6[%swap3A_199] {strides = array<i32>} : memref<16384xi32, #tpu.memory_space<vmem>>, vector<16xi32>,
      tpu.vector_store %arg6[%swap3A_199], %add3A_196 {strides = array<i32>} : memref<16384xi32, #tpu.memory_space<vmem>>, vector<16xi32>,
      %mul3A_201 = arith.constant 4 : i32
      %mul3A_202 = arith.muli %scan3A_77, %mul3A_201 : i32
      %add3A_203 = arith.constant 1 : i32
      %add3A_204 = arith.addi %mul3A_202, %add3A_203 : i32
      %broadcast_in_dim3A_205 = vector.broadcast %add3A_204 : i32 to vector<16xi32>
      %gather3A_206 = tpu.vector_load_idx %arg5[%broadcast_in_dim3A_205] : memref<64xi32, #tpu.memory_space<vmem>>[vector<16xi32>], vector<16xi32>,
      %mul3A_207 = arith.constant 16384 : i32
      %mul3A_208 = vector.broadcast %mul3A_207 : i32 to vector<16xi32>
      %mul3A_209 = arith.muli %iota3A, %mul3A_208 : vector<16xi32>
      %add3A_210 = vector.broadcast %mul3A_58 : i32 to vector<16xi32>
      %add3A_211 = arith.addi %mul3A_209, %add3A_210 : vector<16xi32>
      %add3A_212 = arith.addi %add3A_211, %gather3A_206 : vector<16xi32>
      %mul3A_213 = arith.constant 256 : i32
      %mul3A_214 = arith.muli %add3A_204, %mul3A_213 : i32
      %add3A_215 = arith.constant 0 : i32
      %add3A_216 = vector.broadcast %add3A_215 : i32 to vector<16xi32>
      %add3A_217 = arith.addi %add3A_212, %add3A_216 : vector<16xi32>
      %add3A_218 = arith.constant 0 : i32
      %add3A_219 = arith.addi %mul3A_214, %add3A_218 : i32
      %swap3A_220 = arith.index_cast %add3A_219 : i32 to index
      %swap3A_221 = tpu.vector_load %arg6[%swap3A_220] {strides = array<i32>} : memref<16384xi32, #tpu.memory_space<vmem>>, vector<16xi32>,
      tpu.vector_store %arg6[%swap3A_220], %add3A_217 {strides = array<i32>} : memref<16384xi32, #tpu.memory_space<vmem>>, vector<16xi32>,
      %add3A_222 = arith.constant 262144 : i32
      %add3A_223 = vector.broadcast %add3A_222 : i32 to vector<16xi32>
      %add3A_224 = arith.addi %add3A_212, %add3A_223 : vector<16xi32>
      %add3A_225 = arith.constant 16 : i32
      %add3A_226 = arith.addi %mul3A_214, %add3A_225 : i32
      %swap3A_227 = arith.index_cast %add3A_226 : i32 to index
      %swap3A_228 = tpu.vector_load %arg6[%swap3A_227] {strides = array<i32>} : memref<16384xi32, #tpu.memory_space<vmem>>, vector<16xi32>,
      tpu.vector_store %arg6[%swap3A_227], %add3A_224 {strides = array<i32>} : memref<16384xi32, #tpu.memory_space<vmem>>, vector<16xi32>,
      %add3A_229 = arith.constant 524288 : i32
      %add3A_230 = vector.broadcast %add3A_229 : i32 to vector<16xi32>
      %add3A_231 = arith.addi %add3A_212, %add3A_230 : vector<16xi32>
      %add3A_232 = arith.constant 32 : i32
      %add3A_233 = arith.addi %mul3A_214, %add3A_232 : i32
      %swap3A_234 = arith.index_cast %add3A_233 : i32 to index
      %swap3A_235 = tpu.vector_load %arg6[%swap3A_234] {strides = array<i32>} : memref<16384xi32, #tpu.memory_space<vmem>>, vector<16xi32>,
      tpu.vector_store %arg6[%swap3A_234], %add3A_231 {strides = array<i32>} : memref<16384xi32, #tpu.memory_space<vmem>>, vector<16xi32>,
      %add3A_236 = arith.constant 786432 : i32
      %add3A_237 = vector.broadcast %add3A_236 : i32 to vector<16xi32>
      %add3A_238 = arith.addi %add3A_212, %add3A_237 : vector<16xi32>
      %add3A_239 = arith.constant 48 : i32
      %add3A_240 = arith.addi %mul3A_214, %add3A_239 : i32
      %swap3A_241 = arith.index_cast %add3A_240 : i32 to index
      %swap3A_242 = tpu.vector_load %arg6[%swap3A_241] {strides = array<i32>} : memref<16384xi32, #tpu.memory_space<vmem>>, vector<16xi32>,
      tpu.vector_store %arg6[%swap3A_241], %add3A_238 {strides = array<i32>} : memref<16384xi32, #tpu.memory_space<vmem>>, vector<16xi32>,
      %add3A_243 = arith.constant 1048576 : i32
      %add3A_244 = vector.broadcast %add3A_243 : i32 to vector<16xi32>
      %add3A_245 = arith.addi %add3A_212, %add3A_244 : vector<16xi32>
      %add3A_246 = arith.constant 64 : i32
      %add3A_247 = arith.addi %mul3A_214, %add3A_246 : i32
      %swap3A_248 = arith.index_cast %add3A_247 : i32 to index
      %swap3A_249 = tpu.vector_load %arg6[%swap3A_248] {strides = array<i32>} : memref<16384xi32, #tpu.memory_space<vmem>>, vector<16xi32>,
      tpu.vector_store %arg6[%swap3A_248], %add3A_245 {strides = array<i32>} : memref<16384xi32, #tpu.memory_space<vmem>>, vector<16xi32>,
      %add3A_250 = arith.constant 1310720 : i32
      %add3A_251 = vector.broadcast %add3A_250 : i32 to vector<16xi32>
      %add3A_252 = arith.addi %add3A_212, %add3A_251 : vector<16xi32>
      %add3A_253 = arith.constant 80 : i32
      %add3A_254 = arith.addi %mul3A_214, %add3A_253 : i32
      %swap3A_255 = arith.index_cast %add3A_254 : i32 to index
      %swap3A_256 = tpu.vector_load %arg6[%swap3A_255] {strides = array<i32>} : memref<16384xi32, #tpu.memory_space<vmem>>, vector<16xi32>,
      tpu.vector_store %arg6[%swap3A_255], %add3A_252 {strides = array<i32>} : memref<16384xi32, #tpu.memory_space<vmem>>, vector<16xi32>,
      %add3A_257 = arith.constant 1572864 : i32
      %add3A_258 = vector.broadcast %add3A_257 : i32 to vector<16xi32>
      %add3A_259 = arith.addi %add3A_212, %add3A_258 : vector<16xi32>
      %add3A_260 = arith.constant 96 : i32
      %add3A_261 = arith.addi %mul3A_214, %add3A_260 : i32
      %swap3A_262 = arith.index_cast %add3A_261 : i32 to index
      %swap3A_263 = tpu.vector_load %arg6[%swap3A_262] {strides = array<i32>} : memref<16384xi32, #tpu.memory_space<vmem>>, vector<16xi32>,
      tpu.vector_store %arg6[%swap3A_262], %add3A_259 {strides = array<i32>} : memref<16384xi32, #tpu.memory_space<vmem>>, vector<16xi32>,
      %add3A_264 = arith.constant 1835008 : i32
      %add3A_265 = vector.broadcast %add3A_264 : i32 to vector<16xi32>
      %add3A_266 = arith.addi %add3A_212, %add3A_265 : vector<16xi32>
      %add3A_267 = arith.constant 112 : i32
      %add3A_268 = arith.addi %mul3A_214, %add3A_267 : i32
      %swap3A_269 = arith.index_cast %add3A_268 : i32 to index
      %swap3A_270 = tpu.vector_load %arg6[%swap3A_269] {strides = array<i32>} : memref<16384xi32, #tpu.memory_space<vmem>>, vector<16xi32>,
      tpu.vector_store %arg6[%swap3A_269], %add3A_266 {strides = array<i32>} : memref<16384xi32, #tpu.memory_space<vmem>>, vector<16xi32>,
      %add3A_271 = arith.constant 2097152 : i32
      %add3A_272 = vector.broadcast %add3A_271 : i32 to vector<16xi32>
      %add3A_273 = arith.addi %add3A_212, %add3A_272 : vector<16xi32>
      %add3A_274 = arith.constant 128 : i32
      %add3A_275 = arith.addi %mul3A_214, %add3A_274 : i32
      %swap3A_276 = arith.index_cast %add3A_275 : i32 to index
      %swap3A_277 = tpu.vector_load %arg6[%swap3A_276] {strides = array<i32>} : memref<16384xi32, #tpu.memory_space<vmem>>, vector<16xi32>,
      tpu.vector_store %arg6[%swap3A_276], %add3A_273 {strides = array<i32>} : memref<16384xi32, #tpu.memory_space<vmem>>, vector<16xi32>,
      %add3A_278 = arith.constant 2359296 : i32
      %add3A_279 = vector.broadcast %add3A_278 : i32 to vector<16xi32>
      %add3A_280 = arith.addi %add3A_212, %add3A_279 : vector<16xi32>
      %add3A_281 = arith.constant 144 : i32
      %add3A_282 = arith.addi %mul3A_214, %add3A_281 : i32
      %swap3A_283 = arith.index_cast %add3A_282 : i32 to index
      %swap3A_284 = tpu.vector_load %arg6[%swap3A_283] {strides = array<i32>} : memref<16384xi32, #tpu.memory_space<vmem>>, vector<16xi32>,
      tpu.vector_store %arg6[%swap3A_283], %add3A_280 {strides = array<i32>} : memref<16384xi32, #tpu.memory_space<vmem>>, vector<16xi32>,
      %add3A_285 = arith.constant 2621440 : i32
      %add3A_286 = vector.broadcast %add3A_285 : i32 to vector<16xi32>
      %add3A_287 = arith.addi %add3A_212, %add3A_286 : vector<16xi32>
      %add3A_288 = arith.constant 160 : i32
      %add3A_289 = arith.addi %mul3A_214, %add3A_288 : i32
      %swap3A_290 = arith.index_cast %add3A_289 : i32 to index
      %swap3A_291 = tpu.vector_load %arg6[%swap3A_290] {strides = array<i32>} : memref<16384xi32, #tpu.memory_space<vmem>>, vector<16xi32>,
      tpu.vector_store %arg6[%swap3A_290], %add3A_287 {strides = array<i32>} : memref<16384xi32, #tpu.memory_space<vmem>>, vector<16xi32>,
      %add3A_292 = arith.constant 2883584 : i32
      %add3A_293 = vector.broadcast %add3A_292 : i32 to vector<16xi32>
      %add3A_294 = arith.addi %add3A_212, %add3A_293 : vector<16xi32>
      %add3A_295 = arith.constant 176 : i32
      %add3A_296 = arith.addi %mul3A_214, %add3A_295 : i32
      %swap3A_297 = arith.index_cast %add3A_296 : i32 to index
      %swap3A_298 = tpu.vector_load %arg6[%swap3A_297] {strides = array<i32>} : memref<16384xi32, #tpu.memory_space<vmem>>, vector<16xi32>,
      tpu.vector_store %arg6[%swap3A_297], %add3A_294 {strides = array<i32>} : memref<16384xi32, #tpu.memory_space<vmem>>, vector<16xi32>,
      %add3A_299 = arith.constant 3145728 : i32
      %add3A_300 = vector.broadcast %add3A_299 : i32 to vector<16xi32>
      %add3A_301 = arith.addi %add3A_212, %add3A_300 : vector<16xi32>
      %add3A_302 = arith.constant 192 : i32
      %add3A_303 = arith.addi %mul3A_214, %add3A_302 : i32
      %swap3A_304 = arith.index_cast %add3A_303 : i32 to index
      %swap3A_305 = tpu.vector_load %arg6[%swap3A_304] {strides = array<i32>} : memref<16384xi32, #tpu.memory_space<vmem>>, vector<16xi32>,
      tpu.vector_store %arg6[%swap3A_304], %add3A_301 {strides = array<i32>} : memref<16384xi32, #tpu.memory_space<vmem>>, vector<16xi32>,
      %add3A_306 = arith.constant 3407872 : i32
      %add3A_307 = vector.broadcast %add3A_306 : i32 to vector<16xi32>
      %add3A_308 = arith.addi %add3A_212, %add3A_307 : vector<16xi32>
      %add3A_309 = arith.constant 208 : i32
      %add3A_310 = arith.addi %mul3A_214, %add3A_309 : i32
      %swap3A_311 = arith.index_cast %add3A_310 : i32 to index
      %swap3A_312 = tpu.vector_load %arg6[%swap3A_311] {strides = array<i32>} : memref<16384xi32, #tpu.memory_space<vmem>>, vector<16xi32>,
      tpu.vector_store %arg6[%swap3A_311], %add3A_308 {strides = array<i32>} : memref<16384xi32, #tpu.memory_space<vmem>>, vector<16xi32>,
      %add3A_313 = arith.constant 3670016 : i32
      %add3A_314 = vector.broadcast %add3A_313 : i32 to vector<16xi32>
      %add3A_315 = arith.addi %add3A_212, %add3A_314 : vector<16xi32>
      %add3A_316 = arith.constant 224 : i32
      %add3A_317 = arith.addi %mul3A_214, %add3A_316 : i32
      %swap3A_318 = arith.index_cast %add3A_317 : i32 to index
      %swap3A_319 = tpu.vector_load %arg6[%swap3A_318] {strides = array<i32>} : memref<16384xi32, #tpu.memory_space<vmem>>, vector<16xi32>,
      tpu.vector_store %arg6[%swap3A_318], %add3A_315 {strides = array<i32>} : memref<16384xi32, #tpu.memory_space<vmem>>, vector<16xi32>,
      %add3A_320 = arith.constant 3932160 : i32
      %add3A_321 = vector.broadcast %add3A_320 : i32 to vector<16xi32>
      %add3A_322 = arith.addi %add3A_212, %add3A_321 : vector<16xi32>
      %add3A_323 = arith.constant 240 : i32
      %add3A_324 = arith.addi %mul3A_214, %add3A_323 : i32
      %swap3A_325 = arith.index_cast %add3A_324 : i32 to index
      %swap3A_326 = tpu.vector_load %arg6[%swap3A_325] {strides = array<i32>} : memref<16384xi32, #tpu.memory_space<vmem>>, vector<16xi32>,
      tpu.vector_store %arg6[%swap3A_325], %add3A_322 {strides = array<i32>} : memref<16384xi32, #tpu.memory_space<vmem>>, vector<16xi32>,
      %mul3A_327 = arith.constant 4 : i32
      %mul3A_328 = arith.muli %scan3A_77, %mul3A_327 : i32
      %add3A_329 = arith.constant 2 : i32
      %add3A_330 = arith.addi %mul3A_328, %add3A_329 : i32
      %broadcast_in_dim3A_331 = vector.broadcast %add3A_330 : i32 to vector<16xi32>
      %gather3A_332 = tpu.vector_load_idx %arg5[%broadcast_in_dim3A_331] : memref<64xi32, #tpu.memory_space<vmem>>[vector<16xi32>], vector<16xi32>,
      %mul3A_333 = arith.constant 16384 : i32
      %mul3A_334 = vector.broadcast %mul3A_333 : i32 to vector<16xi32>
      %mul3A_335 = arith.muli %iota3A, %mul3A_334 : vector<16xi32>
      %add3A_336 = vector.broadcast %mul3A_58 : i32 to vector<16xi32>
      %add3A_337 = arith.addi %mul3A_335, %add3A_336 : vector<16xi32>
      %add3A_338 = arith.addi %add3A_337, %gather3A_332 : vector<16xi32>
      %mul3A_339 = arith.constant 256 : i32
      %mul3A_340 = arith.muli %add3A_330, %mul3A_339 : i32
      %add3A_341 = arith.constant 0 : i32
      %add3A_342 = vector.broadcast %add3A_341 : i32 to vector<16xi32>
      %add3A_343 = arith.addi %add3A_338, %add3A_342 : vector<16xi32>
      %add3A_344 = arith.constant 0 : i32
      %add3A_345 = arith.addi %mul3A_340, %add3A_344 : i32
      %swap3A_346 = arith.index_cast %add3A_345 : i32 to index
      %swap3A_347 = tpu.vector_load %arg6[%swap3A_346] {strides = array<i32>} : memref<16384xi32, #tpu.memory_space<vmem>>, vector<16xi32>,
      tpu.vector_store %arg6[%swap3A_346], %add3A_343 {strides = array<i32>} : memref<16384xi32, #tpu.memory_space<vmem>>, vector<16xi32>,
      %add3A_348 = arith.constant 262144 : i32
      %add3A_349 = vector.broadcast %add3A_348 : i32 to vector<16xi32>
      %add3A_350 = arith.addi %add3A_338, %add3A_349 : vector<16xi32>
      %add3A_351 = arith.constant 16 : i32
      %add3A_352 = arith.addi %mul3A_340, %add3A_351 : i32
      %swap3A_353 = arith.index_cast %add3A_352 : i32 to index
      %swap3A_354 = tpu.vector_load %arg6[%swap3A_353] {strides = array<i32>} : memref<16384xi32, #tpu.memory_space<vmem>>, vector<16xi32>,
      tpu.vector_store %arg6[%swap3A_353], %add3A_350 {strides = array<i32>} : memref<16384xi32, #tpu.memory_space<vmem>>, vector<16xi32>,
      %add3A_355 = arith.constant 524288 : i32
      %add3A_356 = vector.broadcast %add3A_355 : i32 to vector<16xi32>
      %add3A_357 = arith.addi %add3A_338, %add3A_356 : vector<16xi32>
      %add3A_358 = arith.constant 32 : i32
      %add3A_359 = arith.addi %mul3A_340, %add3A_358 : i32
      %swap3A_360 = arith.index_cast %add3A_359 : i32 to index
      %swap3A_361 = tpu.vector_load %arg6[%swap3A_360] {strides = array<i32>} : memref<16384xi32, #tpu.memory_space<vmem>>, vector<16xi32>,
      tpu.vector_store %arg6[%swap3A_360], %add3A_357 {strides = array<i32>} : memref<16384xi32, #tpu.memory_space<vmem>>, vector<16xi32>,
      %add3A_362 = arith.constant 786432 : i32
      %add3A_363 = vector.broadcast %add3A_362 : i32 to vector<16xi32>
      %add3A_364 = arith.addi %add3A_338, %add3A_363 : vector<16xi32>
      %add3A_365 = arith.constant 48 : i32
      %add3A_366 = arith.addi %mul3A_340, %add3A_365 : i32
      %swap3A_367 = arith.index_cast %add3A_366 : i32 to index
      %swap3A_368 = tpu.vector_load %arg6[%swap3A_367] {strides = array<i32>} : memref<16384xi32, #tpu.memory_space<vmem>>, vector<16xi32>,
      tpu.vector_store %arg6[%swap3A_367], %add3A_364 {strides = array<i32>} : memref<16384xi32, #tpu.memory_space<vmem>>, vector<16xi32>,
      %add3A_369 = arith.constant 1048576 : i32
      %add3A_370 = vector.broadcast %add3A_369 : i32 to vector<16xi32>
      %add3A_371 = arith.addi %add3A_338, %add3A_370 : vector<16xi32>
      %add3A_372 = arith.constant 64 : i32
      %add3A_373 = arith.addi %mul3A_340, %add3A_372 : i32
      %swap3A_374 = arith.index_cast %add3A_373 : i32 to index
      %swap3A_375 = tpu.vector_load %arg6[%swap3A_374] {strides = array<i32>} : memref<16384xi32, #tpu.memory_space<vmem>>, vector<16xi32>,
      tpu.vector_store %arg6[%swap3A_374], %add3A_371 {strides = array<i32>} : memref<16384xi32, #tpu.memory_space<vmem>>, vector<16xi32>,
      %add3A_376 = arith.constant 1310720 : i32
      %add3A_377 = vector.broadcast %add3A_376 : i32 to vector<16xi32>
      %add3A_378 = arith.addi %add3A_338, %add3A_377 : vector<16xi32>
      %add3A_379 = arith.constant 80 : i32
      %add3A_380 = arith.addi %mul3A_340, %add3A_379 : i32
      %swap3A_381 = arith.index_cast %add3A_380 : i32 to index
      %swap3A_382 = tpu.vector_load %arg6[%swap3A_381] {strides = array<i32>} : memref<16384xi32, #tpu.memory_space<vmem>>, vector<16xi32>,
      tpu.vector_store %arg6[%swap3A_381], %add3A_378 {strides = array<i32>} : memref<16384xi32, #tpu.memory_space<vmem>>, vector<16xi32>,
      %add3A_383 = arith.constant 1572864 : i32
      %add3A_384 = vector.broadcast %add3A_383 : i32 to vector<16xi32>
      %add3A_385 = arith.addi %add3A_338, %add3A_384 : vector<16xi32>
      %add3A_386 = arith.constant 96 : i32
      %add3A_387 = arith.addi %mul3A_340, %add3A_386 : i32
      %swap3A_388 = arith.index_cast %add3A_387 : i32 to index
      %swap3A_389 = tpu.vector_load %arg6[%swap3A_388] {strides = array<i32>} : memref<16384xi32, #tpu.memory_space<vmem>>, vector<16xi32>,
      tpu.vector_store %arg6[%swap3A_388], %add3A_385 {strides = array<i32>} : memref<16384xi32, #tpu.memory_space<vmem>>, vector<16xi32>,
      %add3A_390 = arith.constant 1835008 : i32
      %add3A_391 = vector.broadcast %add3A_390 : i32 to vector<16xi32>
      %add3A_392 = arith.addi %add3A_338, %add3A_391 : vector<16xi32>
      %add3A_393 = arith.constant 112 : i32
      %add3A_394 = arith.addi %mul3A_340, %add3A_393 : i32
      %swap3A_395 = arith.index_cast %add3A_394 : i32 to index
      %swap3A_396 = tpu.vector_load %arg6[%swap3A_395] {strides = array<i32>} : memref<16384xi32, #tpu.memory_space<vmem>>, vector<16xi32>,
      tpu.vector_store %arg6[%swap3A_395], %add3A_392 {strides = array<i32>} : memref<16384xi32, #tpu.memory_space<vmem>>, vector<16xi32>,
      %add3A_397 = arith.constant 2097152 : i32
      %add3A_398 = vector.broadcast %add3A_397 : i32 to vector<16xi32>
      %add3A_399 = arith.addi %add3A_338, %add3A_398 : vector<16xi32>
      %add3A_400 = arith.constant 128 : i32
      %add3A_401 = arith.addi %mul3A_340, %add3A_400 : i32
      %swap3A_402 = arith.index_cast %add3A_401 : i32 to index
      %swap3A_403 = tpu.vector_load %arg6[%swap3A_402] {strides = array<i32>} : memref<16384xi32, #tpu.memory_space<vmem>>, vector<16xi32>,
      tpu.vector_store %arg6[%swap3A_402], %add3A_399 {strides = array<i32>} : memref<16384xi32, #tpu.memory_space<vmem>>, vector<16xi32>,
      %add3A_404 = arith.constant 2359296 : i32
      %add3A_405 = vector.broadcast %add3A_404 : i32 to vector<16xi32>
      %add3A_406 = arith.addi %add3A_338, %add3A_405 : vector<16xi32>
      %add3A_407 = arith.constant 144 : i32
      %add3A_408 = arith.addi %mul3A_340, %add3A_407 : i32
      %swap3A_409 = arith.index_cast %add3A_408 : i32 to index
      %swap3A_410 = tpu.vector_load %arg6[%swap3A_409] {strides = array<i32>} : memref<16384xi32, #tpu.memory_space<vmem>>, vector<16xi32>,
      tpu.vector_store %arg6[%swap3A_409], %add3A_406 {strides = array<i32>} : memref<16384xi32, #tpu.memory_space<vmem>>, vector<16xi32>,
      %add3A_411 = arith.constant 2621440 : i32
      %add3A_412 = vector.broadcast %add3A_411 : i32 to vector<16xi32>
      %add3A_413 = arith.addi %add3A_338, %add3A_412 : vector<16xi32>
      %add3A_414 = arith.constant 160 : i32
      %add3A_415 = arith.addi %mul3A_340, %add3A_414 : i32
      %swap3A_416 = arith.index_cast %add3A_415 : i32 to index
      %swap3A_417 = tpu.vector_load %arg6[%swap3A_416] {strides = array<i32>} : memref<16384xi32, #tpu.memory_space<vmem>>, vector<16xi32>,
      tpu.vector_store %arg6[%swap3A_416], %add3A_413 {strides = array<i32>} : memref<16384xi32, #tpu.memory_space<vmem>>, vector<16xi32>,
      %add3A_418 = arith.constant 2883584 : i32
      %add3A_419 = vector.broadcast %add3A_418 : i32 to vector<16xi32>
      %add3A_420 = arith.addi %add3A_338, %add3A_419 : vector<16xi32>
      %add3A_421 = arith.constant 176 : i32
      %add3A_422 = arith.addi %mul3A_340, %add3A_421 : i32
      %swap3A_423 = arith.index_cast %add3A_422 : i32 to index
      %swap3A_424 = tpu.vector_load %arg6[%swap3A_423] {strides = array<i32>} : memref<16384xi32, #tpu.memory_space<vmem>>, vector<16xi32>,
      tpu.vector_store %arg6[%swap3A_423], %add3A_420 {strides = array<i32>} : memref<16384xi32, #tpu.memory_space<vmem>>, vector<16xi32>,
      %add3A_425 = arith.constant 3145728 : i32
      %add3A_426 = vector.broadcast %add3A_425 : i32 to vector<16xi32>
      %add3A_427 = arith.addi %add3A_338, %add3A_426 : vector<16xi32>
      %add3A_428 = arith.constant 192 : i32
      %add3A_429 = arith.addi %mul3A_340, %add3A_428 : i32
      %swap3A_430 = arith.index_cast %add3A_429 : i32 to index
      %swap3A_431 = tpu.vector_load %arg6[%swap3A_430] {strides = array<i32>} : memref<16384xi32, #tpu.memory_space<vmem>>, vector<16xi32>,
      tpu.vector_store %arg6[%swap3A_430], %add3A_427 {strides = array<i32>} : memref<16384xi32, #tpu.memory_space<vmem>>, vector<16xi32>,
      %add3A_432 = arith.constant 3407872 : i32
      %add3A_433 = vector.broadcast %add3A_432 : i32 to vector<16xi32>
      %add3A_434 = arith.addi %add3A_338, %add3A_433 : vector<16xi32>
      %add3A_435 = arith.constant 208 : i32
      %add3A_436 = arith.addi %mul3A_340, %add3A_435 : i32
      %swap3A_437 = arith.index_cast %add3A_436 : i32 to index
      %swap3A_438 = tpu.vector_load %arg6[%swap3A_437] {strides = array<i32>} : memref<16384xi32, #tpu.memory_space<vmem>>, vector<16xi32>,
      tpu.vector_store %arg6[%swap3A_437], %add3A_434 {strides = array<i32>} : memref<16384xi32, #tpu.memory_space<vmem>>, vector<16xi32>,
      %add3A_439 = arith.constant 3670016 : i32
      %add3A_440 = vector.broadcast %add3A_439 : i32 to vector<16xi32>
      %add3A_441 = arith.addi %add3A_338, %add3A_440 : vector<16xi32>
      %add3A_442 = arith.constant 224 : i32
      %add3A_443 = arith.addi %mul3A_340, %add3A_442 : i32
      %swap3A_444 = arith.index_cast %add3A_443 : i32 to index
      %swap3A_445 = tpu.vector_load %arg6[%swap3A_444] {strides = array<i32>} : memref<16384xi32, #tpu.memory_space<vmem>>, vector<16xi32>,
      tpu.vector_store %arg6[%swap3A_444], %add3A_441 {strides = array<i32>} : memref<16384xi32, #tpu.memory_space<vmem>>, vector<16xi32>,
      %add3A_446 = arith.constant 3932160 : i32
      %add3A_447 = vector.broadcast %add3A_446 : i32 to vector<16xi32>
      %add3A_448 = arith.addi %add3A_338, %add3A_447 : vector<16xi32>
      %add3A_449 = arith.constant 240 : i32
      %add3A_450 = arith.addi %mul3A_340, %add3A_449 : i32
      %swap3A_451 = arith.index_cast %add3A_450 : i32 to index
      %swap3A_452 = tpu.vector_load %arg6[%swap3A_451] {strides = array<i32>} : memref<16384xi32, #tpu.memory_space<vmem>>, vector<16xi32>,
      tpu.vector_store %arg6[%swap3A_451], %add3A_448 {strides = array<i32>} : memref<16384xi32, #tpu.memory_space<vmem>>, vector<16xi32>,
      %mul3A_453 = arith.constant 4 : i32
      %mul3A_454 = arith.muli %scan3A_77, %mul3A_453 : i32
      %add3A_455 = arith.constant 3 : i32
      %add3A_456 = arith.addi %mul3A_454, %add3A_455 : i32
      %broadcast_in_dim3A_457 = vector.broadcast %add3A_456 : i32 to vector<16xi32>
      %gather3A_458 = tpu.vector_load_idx %arg5[%broadcast_in_dim3A_457] : memref<64xi32, #tpu.memory_space<vmem>>[vector<16xi32>], vector<16xi32>,
      %mul3A_459 = arith.constant 16384 : i32
      %mul3A_460 = vector.broadcast %mul3A_459 : i32 to vector<16xi32>
      %mul3A_461 = arith.muli %iota3A, %mul3A_460 : vector<16xi32>
      %add3A_462 = vector.broadcast %mul3A_58 : i32 to vector<16xi32>
      %add3A_463 = arith.addi %mul3A_461, %add3A_462 : vector<16xi32>
      %add3A_464 = arith.addi %add3A_463, %gather3A_458 : vector<16xi32>
      %mul3A_465 = arith.constant 256 : i32
      %mul3A_466 = arith.muli %add3A_456, %mul3A_465 : i32
      %add3A_467 = arith.constant 0 : i32
      %add3A_468 = vector.broadcast %add3A_467 : i32 to vector<16xi32>
      %add3A_469 = arith.addi %add3A_464, %add3A_468 : vector<16xi32>
      %add3A_470 = arith.constant 0 : i32
      %add3A_471 = arith.addi %mul3A_466, %add3A_470 : i32
      %swap3A_472 = arith.index_cast %add3A_471 : i32 to index
      %swap3A_473 = tpu.vector_load %arg6[%swap3A_472] {strides = array<i32>} : memref<16384xi32, #tpu.memory_space<vmem>>, vector<16xi32>,
      tpu.vector_store %arg6[%swap3A_472], %add3A_469 {strides = array<i32>} : memref<16384xi32, #tpu.memory_space<vmem>>, vector<16xi32>,
      %add3A_474 = arith.constant 262144 : i32
      %add3A_475 = vector.broadcast %add3A_474 : i32 to vector<16xi32>
      %add3A_476 = arith.addi %add3A_464, %add3A_475 : vector<16xi32>
      %add3A_477 = arith.constant 16 : i32
      %add3A_478 = arith.addi %mul3A_466, %add3A_477 : i32
      %swap3A_479 = arith.index_cast %add3A_478 : i32 to index
      %swap3A_480 = tpu.vector_load %arg6[%swap3A_479] {strides = array<i32>} : memref<16384xi32, #tpu.memory_space<vmem>>, vector<16xi32>,
      tpu.vector_store %arg6[%swap3A_479], %add3A_476 {strides = array<i32>} : memref<16384xi32, #tpu.memory_space<vmem>>, vector<16xi32>,
      %add3A_481 = arith.constant 524288 : i32
      %add3A_482 = vector.broadcast %add3A_481 : i32 to vector<16xi32>
      %add3A_483 = arith.addi %add3A_464, %add3A_482 : vector<16xi32>
      %add3A_484 = arith.constant 32 : i32
      %add3A_485 = arith.addi %mul3A_466, %add3A_484 : i32
      %swap3A_486 = arith.index_cast %add3A_485 : i32 to index
      %swap3A_487 = tpu.vector_load %arg6[%swap3A_486] {strides = array<i32>} : memref<16384xi32, #tpu.memory_space<vmem>>, vector<16xi32>,
      tpu.vector_store %arg6[%swap3A_486], %add3A_483 {strides = array<i32>} : memref<16384xi32, #tpu.memory_space<vmem>>, vector<16xi32>,
      %add3A_488 = arith.constant 786432 : i32
      %add3A_489 = vector.broadcast %add3A_488 : i32 to vector<16xi32>
      %add3A_490 = arith.addi %add3A_464, %add3A_489 : vector<16xi32>
      %add3A_491 = arith.constant 48 : i32
      %add3A_492 = arith.addi %mul3A_466, %add3A_491 : i32
      %swap3A_493 = arith.index_cast %add3A_492 : i32 to index
      %swap3A_494 = tpu.vector_load %arg6[%swap3A_493] {strides = array<i32>} : memref<16384xi32, #tpu.memory_space<vmem>>, vector<16xi32>,
      tpu.vector_store %arg6[%swap3A_493], %add3A_490 {strides = array<i32>} : memref<16384xi32, #tpu.memory_space<vmem>>, vector<16xi32>,
      %add3A_495 = arith.constant 1048576 : i32
      %add3A_496 = vector.broadcast %add3A_495 : i32 to vector<16xi32>
      %add3A_497 = arith.addi %add3A_464, %add3A_496 : vector<16xi32>
      %add3A_498 = arith.constant 64 : i32
      %add3A_499 = arith.addi %mul3A_466, %add3A_498 : i32
      %swap3A_500 = arith.index_cast %add3A_499 : i32 to index
      %swap3A_501 = tpu.vector_load %arg6[%swap3A_500] {strides = array<i32>} : memref<16384xi32, #tpu.memory_space<vmem>>, vector<16xi32>,
      tpu.vector_store %arg6[%swap3A_500], %add3A_497 {strides = array<i32>} : memref<16384xi32, #tpu.memory_space<vmem>>, vector<16xi32>,
      %add3A_502 = arith.constant 1310720 : i32
      %add3A_503 = vector.broadcast %add3A_502 : i32 to vector<16xi32>
      %add3A_504 = arith.addi %add3A_464, %add3A_503 : vector<16xi32>
      %add3A_505 = arith.constant 80 : i32
      %add3A_506 = arith.addi %mul3A_466, %add3A_505 : i32
      %swap3A_507 = arith.index_cast %add3A_506 : i32 to index
      %swap3A_508 = tpu.vector_load %arg6[%swap3A_507] {strides = array<i32>} : memref<16384xi32, #tpu.memory_space<vmem>>, vector<16xi32>,
      tpu.vector_store %arg6[%swap3A_507], %add3A_504 {strides = array<i32>} : memref<16384xi32, #tpu.memory_space<vmem>>, vector<16xi32>,
      %add3A_509 = arith.constant 1572864 : i32
      %add3A_510 = vector.broadcast %add3A_509 : i32 to vector<16xi32>
      %add3A_511 = arith.addi %add3A_464, %add3A_510 : vector<16xi32>
      %add3A_512 = arith.constant 96 : i32
      %add3A_513 = arith.addi %mul3A_466, %add3A_512 : i32
      %swap3A_514 = arith.index_cast %add3A_513 : i32 to index
      %swap3A_515 = tpu.vector_load %arg6[%swap3A_514] {strides = array<i32>} : memref<16384xi32, #tpu.memory_space<vmem>>, vector<16xi32>,
      tpu.vector_store %arg6[%swap3A_514], %add3A_511 {strides = array<i32>} : memref<16384xi32, #tpu.memory_space<vmem>>, vector<16xi32>,
      %add3A_516 = arith.constant 1835008 : i32
      %add3A_517 = vector.broadcast %add3A_516 : i32 to vector<16xi32>
      %add3A_518 = arith.addi %add3A_464, %add3A_517 : vector<16xi32>
      %add3A_519 = arith.constant 112 : i32
      %add3A_520 = arith.addi %mul3A_466, %add3A_519 : i32
      %swap3A_521 = arith.index_cast %add3A_520 : i32 to index
      %swap3A_522 = tpu.vector_load %arg6[%swap3A_521] {strides = array<i32>} : memref<16384xi32, #tpu.memory_space<vmem>>, vector<16xi32>,
      tpu.vector_store %arg6[%swap3A_521], %add3A_518 {strides = array<i32>} : memref<16384xi32, #tpu.memory_space<vmem>>, vector<16xi32>,
      %add3A_523 = arith.constant 2097152 : i32
      %add3A_524 = vector.broadcast %add3A_523 : i32 to vector<16xi32>
      %add3A_525 = arith.addi %add3A_464, %add3A_524 : vector<16xi32>
      %add3A_526 = arith.constant 128 : i32
      %add3A_527 = arith.addi %mul3A_466, %add3A_526 : i32
      %swap3A_528 = arith.index_cast %add3A_527 : i32 to index
      %swap3A_529 = tpu.vector_load %arg6[%swap3A_528] {strides = array<i32>} : memref<16384xi32, #tpu.memory_space<vmem>>, vector<16xi32>,
      tpu.vector_store %arg6[%swap3A_528], %add3A_525 {strides = array<i32>} : memref<16384xi32, #tpu.memory_space<vmem>>, vector<16xi32>,
      %add3A_530 = arith.constant 2359296 : i32
      %add3A_531 = vector.broadcast %add3A_530 : i32 to vector<16xi32>
      %add3A_532 = arith.addi %add3A_464, %add3A_531 : vector<16xi32>
      %add3A_533 = arith.constant 144 : i32
      %add3A_534 = arith.addi %mul3A_466, %add3A_533 : i32
      %swap3A_535 = arith.index_cast %add3A_534 : i32 to index
      %swap3A_536 = tpu.vector_load %arg6[%swap3A_535] {strides = array<i32>} : memref<16384xi32, #tpu.memory_space<vmem>>, vector<16xi32>,
      tpu.vector_store %arg6[%swap3A_535], %add3A_532 {strides = array<i32>} : memref<16384xi32, #tpu.memory_space<vmem>>, vector<16xi32>,
      %add3A_537 = arith.constant 2621440 : i32
      %add3A_538 = vector.broadcast %add3A_537 : i32 to vector<16xi32>
      %add3A_539 = arith.addi %add3A_464, %add3A_538 : vector<16xi32>
      %add3A_540 = arith.constant 160 : i32
      %add3A_541 = arith.addi %mul3A_466, %add3A_540 : i32
      %swap3A_542 = arith.index_cast %add3A_541 : i32 to index
      %swap3A_543 = tpu.vector_load %arg6[%swap3A_542] {strides = array<i32>} : memref<16384xi32, #tpu.memory_space<vmem>>, vector<16xi32>,
      tpu.vector_store %arg6[%swap3A_542], %add3A_539 {strides = array<i32>} : memref<16384xi32, #tpu.memory_space<vmem>>, vector<16xi32>,
      %add3A_544 = arith.constant 2883584 : i32
      %add3A_545 = vector.broadcast %add3A_544 : i32 to vector<16xi32>
      %add3A_546 = arith.addi %add3A_464, %add3A_545 : vector<16xi32>
      %add3A_547 = arith.constant 176 : i32
      %add3A_548 = arith.addi %mul3A_466, %add3A_547 : i32
      %swap3A_549 = arith.index_cast %add3A_548 : i32 to index
      %swap3A_550 = tpu.vector_load %arg6[%swap3A_549] {strides = array<i32>} : memref<16384xi32, #tpu.memory_space<vmem>>, vector<16xi32>,
      tpu.vector_store %arg6[%swap3A_549], %add3A_546 {strides = array<i32>} : memref<16384xi32, #tpu.memory_space<vmem>>, vector<16xi32>,
      %add3A_551 = arith.constant 3145728 : i32
      %add3A_552 = vector.broadcast %add3A_551 : i32 to vector<16xi32>
      %add3A_553 = arith.addi %add3A_464, %add3A_552 : vector<16xi32>
      %add3A_554 = arith.constant 192 : i32
      %add3A_555 = arith.addi %mul3A_466, %add3A_554 : i32
      %swap3A_556 = arith.index_cast %add3A_555 : i32 to index
      %swap3A_557 = tpu.vector_load %arg6[%swap3A_556] {strides = array<i32>} : memref<16384xi32, #tpu.memory_space<vmem>>, vector<16xi32>,
      tpu.vector_store %arg6[%swap3A_556], %add3A_553 {strides = array<i32>} : memref<16384xi32, #tpu.memory_space<vmem>>, vector<16xi32>,
      %add3A_558 = arith.constant 3407872 : i32
      %add3A_559 = vector.broadcast %add3A_558 : i32 to vector<16xi32>
      %add3A_560 = arith.addi %add3A_464, %add3A_559 : vector<16xi32>
      %add3A_561 = arith.constant 208 : i32
      %add3A_562 = arith.addi %mul3A_466, %add3A_561 : i32
      %swap3A_563 = arith.index_cast %add3A_562 : i32 to index
      %swap3A_564 = tpu.vector_load %arg6[%swap3A_563] {strides = array<i32>} : memref<16384xi32, #tpu.memory_space<vmem>>, vector<16xi32>,
      tpu.vector_store %arg6[%swap3A_563], %add3A_560 {strides = array<i32>} : memref<16384xi32, #tpu.memory_space<vmem>>, vector<16xi32>,
      %add3A_565 = arith.constant 3670016 : i32
      %add3A_566 = vector.broadcast %add3A_565 : i32 to vector<16xi32>
      %add3A_567 = arith.addi %add3A_464, %add3A_566 : vector<16xi32>
      %add3A_568 = arith.constant 224 : i32
      %add3A_569 = arith.addi %mul3A_466, %add3A_568 : i32
      %swap3A_570 = arith.index_cast %add3A_569 : i32 to index
      %swap3A_571 = tpu.vector_load %arg6[%swap3A_570] {strides = array<i32>} : memref<16384xi32, #tpu.memory_space<vmem>>, vector<16xi32>,
      tpu.vector_store %arg6[%swap3A_570], %add3A_567 {strides = array<i32>} : memref<16384xi32, #tpu.memory_space<vmem>>, vector<16xi32>,
      %add3A_572 = arith.constant 3932160 : i32
      %add3A_573 = vector.broadcast %add3A_572 : i32 to vector<16xi32>
      %add3A_574 = arith.addi %add3A_464, %add3A_573 : vector<16xi32>
      %add3A_575 = arith.constant 240 : i32
      %add3A_576 = arith.addi %mul3A_466, %add3A_575 : i32
      %swap3A_577 = arith.index_cast %add3A_576 : i32 to index
      %swap3A_578 = tpu.vector_load %arg6[%swap3A_577] {strides = array<i32>} : memref<16384xi32, #tpu.memory_space<vmem>>, vector<16xi32>,
      tpu.vector_store %arg6[%swap3A_577], %add3A_574 {strides = array<i32>} : memref<16384xi32, #tpu.memory_space<vmem>>, vector<16xi32>,
    }
    %scan3A_66 = arith.constant 16 : i32
    %dma_start3A = arith.constant 0 : i32
    %dma_start3A_67 = tpu.memref_slice %arg2[%dma_start3A] : memref<33554432xf32, #tpu.memory_space<hbm>> -> memref<33554432xf32, #tpu.memory_space<hbm>>
    tpu.enqueue_indirect_dma source(%dma_start3A_67 : memref<33554432xf32, #tpu.memory_space<hbm>>) target(%arg7 : memref<16384xf32, #tpu.memory_space<vmem>>) offsets(%arg6 : memref<16384xi32, #tpu.memory_space<vmem>>) semaphore(%arg8 : memref<!tpu.dma_semaphore, #tpu.memory_space<semaphore_mem>>)
    %dma_wait3A = arith.constant 0 : i32
    %dma_wait3A_68 = tpu.memref_slice %arg2[%dma_wait3A] : memref<33554432xf32, #tpu.memory_space<hbm>> -> memref<33554432xf32, #tpu.memory_space<hbm>>
    tpu.wait_indirect_dma semaphore(%arg8 : memref<!tpu.dma_semaphore, #tpu.memory_space<semaphore_mem>>) src(%dma_wait3A_68 : memref<33554432xf32, #tpu.memory_space<hbm>>) dst(%arg7 : memref<16384xf32, #tpu.memory_space<vmem>>)
    %scan3A_69 = arith.constant 0 : i32
    %scan3A_70 = arith.constant 0 : i32
    %scan3A_71 = arith.constant 16 : i32
    %scan3A_72 = arith.addi %scan3A_70, %scan3A_71 : i32
    %scan3A_73 = arith.constant 1 : i32
    scf.for %scan3A_77 = %scan3A_70 to %scan3A_72 step %scan3A_73  : i32 {
      %mul3A_78 = arith.constant 4 : i32
      %mul3A_79 = arith.muli %scan3A_77, %mul3A_78 : i32
      %add3A_80 = arith.constant 0 : i32
      %add3A_81 = arith.addi %mul3A_79, %add3A_80 : i32
      %mul3A_82 = arith.constant 256 : i32
      %mul3A_83 = arith.muli %add3A_81, %mul3A_82 : i32
      %mul3A_84 = arith.constant 4 : i32
      %mul3A_85 = arith.muli %scan3A_77, %mul3A_84 : i32
      %add3A_86 = arith.constant 1 : i32
      %add3A_87 = arith.addi %mul3A_85, %add3A_86 : i32
      %mul3A_88 = arith.constant 256 : i32
      %mul3A_89 = arith.muli %add3A_87, %mul3A_88 : i32
      %mul3A_90 = arith.constant 4 : i32
      %mul3A_91 = arith.muli %scan3A_77, %mul3A_90 : i32
      %add3A_92 = arith.constant 2 : i32
      %add3A_93 = arith.addi %mul3A_91, %add3A_92 : i32
      %mul3A_94 = arith.constant 256 : i32
      %mul3A_95 = arith.muli %add3A_93, %mul3A_94 : i32
      %mul3A_96 = arith.constant 4 : i32
      %mul3A_97 = arith.muli %scan3A_77, %mul3A_96 : i32
      %add3A_98 = arith.constant 3 : i32
      %add3A_99 = arith.addi %mul3A_97, %add3A_98 : i32
      %mul3A_100 = arith.constant 256 : i32
      %mul3A_101 = arith.muli %add3A_99, %mul3A_100 : i32
      %broadcast_in_dim3A = arith.constant 0.000000e+00 : f32
      %broadcast_in_dim3A_102 = vector.broadcast %broadcast_in_dim3A : f32 to vector<16xf32>
      %broadcast_in_dim3A_103 = arith.constant 0.000000e+00 : f32
      %broadcast_in_dim3A_104 = vector.broadcast %broadcast_in_dim3A_103 : f32 to vector<16xf32>
      %broadcast_in_dim3A_105 = arith.constant 0.000000e+00 : f32
      %broadcast_in_dim3A_106 = vector.broadcast %broadcast_in_dim3A_105 : f32 to vector<16xf32>
      %broadcast_in_dim3A_107 = arith.constant 0.000000e+00 : f32
      %broadcast_in_dim3A_108 = vector.broadcast %broadcast_in_dim3A_107 : f32 to vector<16xf32>
      %add3A_109 = arith.constant 0 : i32
      %add3A_110 = arith.addi %mul3A_83, %add3A_109 : i32
      %get3A = arith.index_cast %add3A_110 : i32 to index
      %get3A_111 = tpu.vector_load %arg7[%get3A] {strides = array<i32>} : memref<16384xf32, #tpu.memory_space<vmem>>, vector<16xf32>,
      %mul3A_112 = arith.mulf %get3A_111, %get3A_111 : vector<16xf32>
      %add3A_113 = arith.addf %broadcast_in_dim3A_102, %mul3A_112 : vector<16xf32>
      %add3A_114 = arith.constant 0 : i32
      %add3A_115 = arith.addi %mul3A_89, %add3A_114 : i32
      %get3A_116 = arith.index_cast %add3A_115 : i32 to index
      %get3A_117 = tpu.vector_load %arg7[%get3A_116] {strides = array<i32>} : memref<16384xf32, #tpu.memory_space<vmem>>, vector<16xf32>,
      %mul3A_118 = arith.mulf %get3A_117, %get3A_117 : vector<16xf32>
      %add3A_119 = arith.addf %broadcast_in_dim3A_104, %mul3A_118 : vector<16xf32>
      %add3A_120 = arith.constant 0 : i32
      %add3A_121 = arith.addi %mul3A_95, %add3A_120 : i32
      %get3A_122 = arith.index_cast %add3A_121 : i32 to index
      %get3A_123 = tpu.vector_load %arg7[%get3A_122] {strides = array<i32>} : memref<16384xf32, #tpu.memory_space<vmem>>, vector<16xf32>,
      %mul3A_124 = arith.mulf %get3A_123, %get3A_123 : vector<16xf32>
      %add3A_125 = arith.addf %broadcast_in_dim3A_106, %mul3A_124 : vector<16xf32>
      %add3A_126 = arith.constant 0 : i32
      %add3A_127 = arith.addi %mul3A_101, %add3A_126 : i32
      %get3A_128 = arith.index_cast %add3A_127 : i32 to index
      %get3A_129 = tpu.vector_load %arg7[%get3A_128] {strides = array<i32>} : memref<16384xf32, #tpu.memory_space<vmem>>, vector<16xf32>,
      %mul3A_130 = arith.mulf %get3A_129, %get3A_129 : vector<16xf32>
      %add3A_131 = arith.addf %broadcast_in_dim3A_108, %mul3A_130 : vector<16xf32>
      %add3A_132 = arith.constant 16 : i32
      %add3A_133 = arith.addi %mul3A_83, %add3A_132 : i32
      %get3A_134 = arith.index_cast %add3A_133 : i32 to index
      %get3A_135 = tpu.vector_load %arg7[%get3A_134] {strides = array<i32>} : memref<16384xf32, #tpu.memory_space<vmem>>, vector<16xf32>,
      %mul3A_136 = arith.mulf %get3A_135, %get3A_135 : vector<16xf32>
      %add3A_137 = arith.addf %add3A_113, %mul3A_136 : vector<16xf32>
      %add3A_138 = arith.constant 16 : i32
      %add3A_139 = arith.addi %mul3A_89, %add3A_138 : i32
      %get3A_140 = arith.index_cast %add3A_139 : i32 to index
      %get3A_141 = tpu.vector_load %arg7[%get3A_140] {strides = array<i32>} : memref<16384xf32, #tpu.memory_space<vmem>>, vector<16xf32>,
      %mul3A_142 = arith.mulf %get3A_141, %get3A_141 : vector<16xf32>
      %add3A_143 = arith.addf %add3A_119, %mul3A_142 : vector<16xf32>
      %add3A_144 = arith.constant 16 : i32
      %add3A_145 = arith.addi %mul3A_95, %add3A_144 : i32
      %get3A_146 = arith.index_cast %add3A_145 : i32 to index
      %get3A_147 = tpu.vector_load %arg7[%get3A_146] {strides = array<i32>} : memref<16384xf32, #tpu.memory_space<vmem>>, vector<16xf32>,
      %mul3A_148 = arith.mulf %get3A_147, %get3A_147 : vector<16xf32>
      %add3A_149 = arith.addf %add3A_125, %mul3A_148 : vector<16xf32>
      %add3A_150 = arith.constant 16 : i32
      %add3A_151 = arith.addi %mul3A_101, %add3A_150 : i32
      %get3A_152 = arith.index_cast %add3A_151 : i32 to index
      %get3A_153 = tpu.vector_load %arg7[%get3A_152] {strides = array<i32>} : memref<16384xf32, #tpu.memory_space<vmem>>, vector<16xf32>,
      %mul3A_154 = arith.mulf %get3A_153, %get3A_153 : vector<16xf32>
      %add3A_155 = arith.addf %add3A_131, %mul3A_154 : vector<16xf32>
      %add3A_156 = arith.constant 32 : i32
      %add3A_157 = arith.addi %mul3A_83, %add3A_156 : i32
      %get3A_158 = arith.index_cast %add3A_157 : i32 to index
      %get3A_159 = tpu.vector_load %arg7[%get3A_158] {strides = array<i32>} : memref<16384xf32, #tpu.memory_space<vmem>>, vector<16xf32>,
      %mul3A_160 = arith.mulf %get3A_159, %get3A_159 : vector<16xf32>
      %add3A_161 = arith.addf %add3A_137, %mul3A_160 : vector<16xf32>
      %add3A_162 = arith.constant 32 : i32
      %add3A_163 = arith.addi %mul3A_89, %add3A_162 : i32
      %get3A_164 = arith.index_cast %add3A_163 : i32 to index
      %get3A_165 = tpu.vector_load %arg7[%get3A_164] {strides = array<i32>} : memref<16384xf32, #tpu.memory_space<vmem>>, vector<16xf32>,
      %mul3A_166 = arith.mulf %get3A_165, %get3A_165 : vector<16xf32>
      %add3A_167 = arith.addf %add3A_143, %mul3A_166 : vector<16xf32>
      %add3A_168 = arith.constant 32 : i32
      %add3A_169 = arith.addi %mul3A_95, %add3A_168 : i32
      %get3A_170 = arith.index_cast %add3A_169 : i32 to index
      %get3A_171 = tpu.vector_load %arg7[%get3A_170] {strides = array<i32>} : memref<16384xf32, #tpu.memory_space<vmem>>, vector<16xf32>,
      %mul3A_172 = arith.mulf %get3A_171, %get3A_171 : vector<16xf32>
      %add3A_173 = arith.addf %add3A_149, %mul3A_172 : vector<16xf32>
      %add3A_174 = arith.constant 32 : i32
      %add3A_175 = arith.addi %mul3A_101, %add3A_174 : i32
      %get3A_176 = arith.index_cast %add3A_175 : i32 to index
      %get3A_177 = tpu.vector_load %arg7[%get3A_176] {strides = array<i32>} : memref<16384xf32, #tpu.memory_space<vmem>>, vector<16xf32>,
      %mul3A_178 = arith.mulf %get3A_177, %get3A_177 : vector<16xf32>
      %add3A_179 = arith.addf %add3A_155, %mul3A_178 : vector<16xf32>
      %add3A_180 = arith.constant 48 : i32
      %add3A_181 = arith.addi %mul3A_83, %add3A_180 : i32
      %get3A_182 = arith.index_cast %add3A_181 : i32 to index
      %get3A_183 = tpu.vector_load %arg7[%get3A_182] {strides = array<i32>} : memref<16384xf32, #tpu.memory_space<vmem>>, vector<16xf32>,
      %mul3A_184 = arith.mulf %get3A_183, %get3A_183 : vector<16xf32>
      %add3A_185 = arith.addf %add3A_161, %mul3A_184 : vector<16xf32>
      %add3A_186 = arith.constant 48 : i32
      %add3A_187 = arith.addi %mul3A_89, %add3A_186 : i32
      %get3A_188 = arith.index_cast %add3A_187 : i32 to index
      %get3A_189 = tpu.vector_load %arg7[%get3A_188] {strides = array<i32>} : memref<16384xf32, #tpu.memory_space<vmem>>, vector<16xf32>,
      %mul3A_190 = arith.mulf %get3A_189, %get3A_189 : vector<16xf32>
      %add3A_191 = arith.addf %add3A_167, %mul3A_190 : vector<16xf32>
      %add3A_192 = arith.constant 48 : i32
      %add3A_193 = arith.addi %mul3A_95, %add3A_192 : i32
      %get3A_194 = arith.index_cast %add3A_193 : i32 to index
      %get3A_195 = tpu.vector_load %arg7[%get3A_194] {strides = array<i32>} : memref<16384xf32, #tpu.memory_space<vmem>>, vector<16xf32>,
      %mul3A_196 = arith.mulf %get3A_195, %get3A_195 : vector<16xf32>
      %add3A_197 = arith.addf %add3A_173, %mul3A_196 : vector<16xf32>
      %add3A_198 = arith.constant 48 : i32
      %add3A_199 = arith.addi %mul3A_101, %add3A_198 : i32
      %get3A_200 = arith.index_cast %add3A_199 : i32 to index
      %get3A_201 = tpu.vector_load %arg7[%get3A_200] {strides = array<i32>} : memref<16384xf32, #tpu.memory_space<vmem>>, vector<16xf32>,
      %mul3A_202 = arith.mulf %get3A_201, %get3A_201 : vector<16xf32>
      %add3A_203 = arith.addf %add3A_179, %mul3A_202 : vector<16xf32>
      %add3A_204 = arith.constant 64 : i32
      %add3A_205 = arith.addi %mul3A_83, %add3A_204 : i32
      %get3A_206 = arith.index_cast %add3A_205 : i32 to index
      %get3A_207 = tpu.vector_load %arg7[%get3A_206] {strides = array<i32>} : memref<16384xf32, #tpu.memory_space<vmem>>, vector<16xf32>,
      %mul3A_208 = arith.mulf %get3A_207, %get3A_207 : vector<16xf32>
      %add3A_209 = arith.addf %add3A_185, %mul3A_208 : vector<16xf32>
      %add3A_210 = arith.constant 64 : i32
      %add3A_211 = arith.addi %mul3A_89, %add3A_210 : i32
      %get3A_212 = arith.index_cast %add3A_211 : i32 to index
      %get3A_213 = tpu.vector_load %arg7[%get3A_212] {strides = array<i32>} : memref<16384xf32, #tpu.memory_space<vmem>>, vector<16xf32>,
      %mul3A_214 = arith.mulf %get3A_213, %get3A_213 : vector<16xf32>
      %add3A_215 = arith.addf %add3A_191, %mul3A_214 : vector<16xf32>
      %add3A_216 = arith.constant 64 : i32
      %add3A_217 = arith.addi %mul3A_95, %add3A_216 : i32
      %get3A_218 = arith.index_cast %add3A_217 : i32 to index
      %get3A_219 = tpu.vector_load %arg7[%get3A_218] {strides = array<i32>} : memref<16384xf32, #tpu.memory_space<vmem>>, vector<16xf32>,
      %mul3A_220 = arith.mulf %get3A_219, %get3A_219 : vector<16xf32>
      %add3A_221 = arith.addf %add3A_197, %mul3A_220 : vector<16xf32>
      %add3A_222 = arith.constant 64 : i32
      %add3A_223 = arith.addi %mul3A_101, %add3A_222 : i32
      %get3A_224 = arith.index_cast %add3A_223 : i32 to index
      %get3A_225 = tpu.vector_load %arg7[%get3A_224] {strides = array<i32>} : memref<16384xf32, #tpu.memory_space<vmem>>, vector<16xf32>,
      %mul3A_226 = arith.mulf %get3A_225, %get3A_225 : vector<16xf32>
      %add3A_227 = arith.addf %add3A_203, %mul3A_226 : vector<16xf32>
      %add3A_228 = arith.constant 80 : i32
      %add3A_229 = arith.addi %mul3A_83, %add3A_228 : i32
      %get3A_230 = arith.index_cast %add3A_229 : i32 to index
      %get3A_231 = tpu.vector_load %arg7[%get3A_230] {strides = array<i32>} : memref<16384xf32, #tpu.memory_space<vmem>>, vector<16xf32>,
      %mul3A_232 = arith.mulf %get3A_231, %get3A_231 : vector<16xf32>
      %add3A_233 = arith.addf %add3A_209, %mul3A_232 : vector<16xf32>
      %add3A_234 = arith.constant 80 : i32
      %add3A_235 = arith.addi %mul3A_89, %add3A_234 : i32
      %get3A_236 = arith.index_cast %add3A_235 : i32 to index
      %get3A_237 = tpu.vector_load %arg7[%get3A_236] {strides = array<i32>} : memref<16384xf32, #tpu.memory_space<vmem>>, vector<16xf32>,
      %mul3A_238 = arith.mulf %get3A_237, %get3A_237 : vector<16xf32>
      %add3A_239 = arith.addf %add3A_215, %mul3A_238 : vector<16xf32>
      %add3A_240 = arith.constant 80 : i32
      %add3A_241 = arith.addi %mul3A_95, %add3A_240 : i32
      %get3A_242 = arith.index_cast %add3A_241 : i32 to index
      %get3A_243 = tpu.vector_load %arg7[%get3A_242] {strides = array<i32>} : memref<16384xf32, #tpu.memory_space<vmem>>, vector<16xf32>,
      %mul3A_244 = arith.mulf %get3A_243, %get3A_243 : vector<16xf32>
      %add3A_245 = arith.addf %add3A_221, %mul3A_244 : vector<16xf32>
      %add3A_246 = arith.constant 80 : i32
      %add3A_247 = arith.addi %mul3A_101, %add3A_246 : i32
      %get3A_248 = arith.index_cast %add3A_247 : i32 to index
      %get3A_249 = tpu.vector_load %arg7[%get3A_248] {strides = array<i32>} : memref<16384xf32, #tpu.memory_space<vmem>>, vector<16xf32>,
      %mul3A_250 = arith.mulf %get3A_249, %get3A_249 : vector<16xf32>
      %add3A_251 = arith.addf %add3A_227, %mul3A_250 : vector<16xf32>
      %add3A_252 = arith.constant 96 : i32
      %add3A_253 = arith.addi %mul3A_83, %add3A_252 : i32
      %get3A_254 = arith.index_cast %add3A_253 : i32 to index
      %get3A_255 = tpu.vector_load %arg7[%get3A_254] {strides = array<i32>} : memref<16384xf32, #tpu.memory_space<vmem>>, vector<16xf32>,
      %mul3A_256 = arith.mulf %get3A_255, %get3A_255 : vector<16xf32>
      %add3A_257 = arith.addf %add3A_233, %mul3A_256 : vector<16xf32>
      %add3A_258 = arith.constant 96 : i32
      %add3A_259 = arith.addi %mul3A_89, %add3A_258 : i32
      %get3A_260 = arith.index_cast %add3A_259 : i32 to index
      %get3A_261 = tpu.vector_load %arg7[%get3A_260] {strides = array<i32>} : memref<16384xf32, #tpu.memory_space<vmem>>, vector<16xf32>,
      %mul3A_262 = arith.mulf %get3A_261, %get3A_261 : vector<16xf32>
      %add3A_263 = arith.addf %add3A_239, %mul3A_262 : vector<16xf32>
      %add3A_264 = arith.constant 96 : i32
      %add3A_265 = arith.addi %mul3A_95, %add3A_264 : i32
      %get3A_266 = arith.index_cast %add3A_265 : i32 to index
      %get3A_267 = tpu.vector_load %arg7[%get3A_266] {strides = array<i32>} : memref<16384xf32, #tpu.memory_space<vmem>>, vector<16xf32>,
      %mul3A_268 = arith.mulf %get3A_267, %get3A_267 : vector<16xf32>
      %add3A_269 = arith.addf %add3A_245, %mul3A_268 : vector<16xf32>
      %add3A_270 = arith.constant 96 : i32
      %add3A_271 = arith.addi %mul3A_101, %add3A_270 : i32
      %get3A_272 = arith.index_cast %add3A_271 : i32 to index
      %get3A_273 = tpu.vector_load %arg7[%get3A_272] {strides = array<i32>} : memref<16384xf32, #tpu.memory_space<vmem>>, vector<16xf32>,
      %mul3A_274 = arith.mulf %get3A_273, %get3A_273 : vector<16xf32>
      %add3A_275 = arith.addf %add3A_251, %mul3A_274 : vector<16xf32>
      %add3A_276 = arith.constant 112 : i32
      %add3A_277 = arith.addi %mul3A_83, %add3A_276 : i32
      %get3A_278 = arith.index_cast %add3A_277 : i32 to index
      %get3A_279 = tpu.vector_load %arg7[%get3A_278] {strides = array<i32>} : memref<16384xf32, #tpu.memory_space<vmem>>, vector<16xf32>,
      %mul3A_280 = arith.mulf %get3A_279, %get3A_279 : vector<16xf32>
      %add3A_281 = arith.addf %add3A_257, %mul3A_280 : vector<16xf32>
      %add3A_282 = arith.constant 112 : i32
      %add3A_283 = arith.addi %mul3A_89, %add3A_282 : i32
      %get3A_284 = arith.index_cast %add3A_283 : i32 to index
      %get3A_285 = tpu.vector_load %arg7[%get3A_284] {strides = array<i32>} : memref<16384xf32, #tpu.memory_space<vmem>>, vector<16xf32>,
      %mul3A_286 = arith.mulf %get3A_285, %get3A_285 : vector<16xf32>
      %add3A_287 = arith.addf %add3A_263, %mul3A_286 : vector<16xf32>
      %add3A_288 = arith.constant 112 : i32
      %add3A_289 = arith.addi %mul3A_95, %add3A_288 : i32
      %get3A_290 = arith.index_cast %add3A_289 : i32 to index
      %get3A_291 = tpu.vector_load %arg7[%get3A_290] {strides = array<i32>} : memref<16384xf32, #tpu.memory_space<vmem>>, vector<16xf32>,
      %mul3A_292 = arith.mulf %get3A_291, %get3A_291 : vector<16xf32>
      %add3A_293 = arith.addf %add3A_269, %mul3A_292 : vector<16xf32>
      %add3A_294 = arith.constant 112 : i32
      %add3A_295 = arith.addi %mul3A_101, %add3A_294 : i32
      %get3A_296 = arith.index_cast %add3A_295 : i32 to index
      %get3A_297 = tpu.vector_load %arg7[%get3A_296] {strides = array<i32>} : memref<16384xf32, #tpu.memory_space<vmem>>, vector<16xf32>,
      %mul3A_298 = arith.mulf %get3A_297, %get3A_297 : vector<16xf32>
      %add3A_299 = arith.addf %add3A_275, %mul3A_298 : vector<16xf32>
      %add3A_300 = arith.constant 128 : i32
      %add3A_301 = arith.addi %mul3A_83, %add3A_300 : i32
      %get3A_302 = arith.index_cast %add3A_301 : i32 to index
      %get3A_303 = tpu.vector_load %arg7[%get3A_302] {strides = array<i32>} : memref<16384xf32, #tpu.memory_space<vmem>>, vector<16xf32>,
      %mul3A_304 = arith.mulf %get3A_303, %get3A_303 : vector<16xf32>
      %add3A_305 = arith.addf %add3A_281, %mul3A_304 : vector<16xf32>
      %add3A_306 = arith.constant 128 : i32
      %add3A_307 = arith.addi %mul3A_89, %add3A_306 : i32
      %get3A_308 = arith.index_cast %add3A_307 : i32 to index
      %get3A_309 = tpu.vector_load %arg7[%get3A_308] {strides = array<i32>} : memref<16384xf32, #tpu.memory_space<vmem>>, vector<16xf32>,
      %mul3A_310 = arith.mulf %get3A_309, %get3A_309 : vector<16xf32>
      %add3A_311 = arith.addf %add3A_287, %mul3A_310 : vector<16xf32>
      %add3A_312 = arith.constant 128 : i32
      %add3A_313 = arith.addi %mul3A_95, %add3A_312 : i32
      %get3A_314 = arith.index_cast %add3A_313 : i32 to index
      %get3A_315 = tpu.vector_load %arg7[%get3A_314] {strides = array<i32>} : memref<16384xf32, #tpu.memory_space<vmem>>, vector<16xf32>,
      %mul3A_316 = arith.mulf %get3A_315, %get3A_315 : vector<16xf32>
      %add3A_317 = arith.addf %add3A_293, %mul3A_316 : vector<16xf32>
      %add3A_318 = arith.constant 128 : i32
      %add3A_319 = arith.addi %mul3A_101, %add3A_318 : i32
      %get3A_320 = arith.index_cast %add3A_319 : i32 to index
      %get3A_321 = tpu.vector_load %arg7[%get3A_320] {strides = array<i32>} : memref<16384xf32, #tpu.memory_space<vmem>>, vector<16xf32>,
      %mul3A_322 = arith.mulf %get3A_321, %get3A_321 : vector<16xf32>
      %add3A_323 = arith.addf %add3A_299, %mul3A_322 : vector<16xf32>
      %add3A_324 = arith.constant 144 : i32
      %add3A_325 = arith.addi %mul3A_83, %add3A_324 : i32
      %get3A_326 = arith.index_cast %add3A_325 : i32 to index
      %get3A_327 = tpu.vector_load %arg7[%get3A_326] {strides = array<i32>} : memref<16384xf32, #tpu.memory_space<vmem>>, vector<16xf32>,
      %mul3A_328 = arith.mulf %get3A_327, %get3A_327 : vector<16xf32>
      %add3A_329 = arith.addf %add3A_305, %mul3A_328 : vector<16xf32>
      %add3A_330 = arith.constant 144 : i32
      %add3A_331 = arith.addi %mul3A_89, %add3A_330 : i32
      %get3A_332 = arith.index_cast %add3A_331 : i32 to index
      %get3A_333 = tpu.vector_load %arg7[%get3A_332] {strides = array<i32>} : memref<16384xf32, #tpu.memory_space<vmem>>, vector<16xf32>,
      %mul3A_334 = arith.mulf %get3A_333, %get3A_333 : vector<16xf32>
      %add3A_335 = arith.addf %add3A_311, %mul3A_334 : vector<16xf32>
      %add3A_336 = arith.constant 144 : i32
      %add3A_337 = arith.addi %mul3A_95, %add3A_336 : i32
      %get3A_338 = arith.index_cast %add3A_337 : i32 to index
      %get3A_339 = tpu.vector_load %arg7[%get3A_338] {strides = array<i32>} : memref<16384xf32, #tpu.memory_space<vmem>>, vector<16xf32>,
      %mul3A_340 = arith.mulf %get3A_339, %get3A_339 : vector<16xf32>
      %add3A_341 = arith.addf %add3A_317, %mul3A_340 : vector<16xf32>
      %add3A_342 = arith.constant 144 : i32
      %add3A_343 = arith.addi %mul3A_101, %add3A_342 : i32
      %get3A_344 = arith.index_cast %add3A_343 : i32 to index
      %get3A_345 = tpu.vector_load %arg7[%get3A_344] {strides = array<i32>} : memref<16384xf32, #tpu.memory_space<vmem>>, vector<16xf32>,
      %mul3A_346 = arith.mulf %get3A_345, %get3A_345 : vector<16xf32>
      %add3A_347 = arith.addf %add3A_323, %mul3A_346 : vector<16xf32>
      %add3A_348 = arith.constant 160 : i32
      %add3A_349 = arith.addi %mul3A_83, %add3A_348 : i32
      %get3A_350 = arith.index_cast %add3A_349 : i32 to index
      %get3A_351 = tpu.vector_load %arg7[%get3A_350] {strides = array<i32>} : memref<16384xf32, #tpu.memory_space<vmem>>, vector<16xf32>,
      %mul3A_352 = arith.mulf %get3A_351, %get3A_351 : vector<16xf32>
      %add3A_353 = arith.addf %add3A_329, %mul3A_352 : vector<16xf32>
      %add3A_354 = arith.constant 160 : i32
      %add3A_355 = arith.addi %mul3A_89, %add3A_354 : i32
      %get3A_356 = arith.index_cast %add3A_355 : i32 to index
      %get3A_357 = tpu.vector_load %arg7[%get3A_356] {strides = array<i32>} : memref<16384xf32, #tpu.memory_space<vmem>>, vector<16xf32>,
      %mul3A_358 = arith.mulf %get3A_357, %get3A_357 : vector<16xf32>
      %add3A_359 = arith.addf %add3A_335, %mul3A_358 : vector<16xf32>
      %add3A_360 = arith.constant 160 : i32
      %add3A_361 = arith.addi %mul3A_95, %add3A_360 : i32
      %get3A_362 = arith.index_cast %add3A_361 : i32 to index
      %get3A_363 = tpu.vector_load %arg7[%get3A_362] {strides = array<i32>} : memref<16384xf32, #tpu.memory_space<vmem>>, vector<16xf32>,
      %mul3A_364 = arith.mulf %get3A_363, %get3A_363 : vector<16xf32>
      %add3A_365 = arith.addf %add3A_341, %mul3A_364 : vector<16xf32>
      %add3A_366 = arith.constant 160 : i32
      %add3A_367 = arith.addi %mul3A_101, %add3A_366 : i32
      %get3A_368 = arith.index_cast %add3A_367 : i32 to index
      %get3A_369 = tpu.vector_load %arg7[%get3A_368] {strides = array<i32>} : memref<16384xf32, #tpu.memory_space<vmem>>, vector<16xf32>,
      %mul3A_370 = arith.mulf %get3A_369, %get3A_369 : vector<16xf32>
      %add3A_371 = arith.addf %add3A_347, %mul3A_370 : vector<16xf32>
      %add3A_372 = arith.constant 176 : i32
      %add3A_373 = arith.addi %mul3A_83, %add3A_372 : i32
      %get3A_374 = arith.index_cast %add3A_373 : i32 to index
      %get3A_375 = tpu.vector_load %arg7[%get3A_374] {strides = array<i32>} : memref<16384xf32, #tpu.memory_space<vmem>>, vector<16xf32>,
      %mul3A_376 = arith.mulf %get3A_375, %get3A_375 : vector<16xf32>
      %add3A_377 = arith.addf %add3A_353, %mul3A_376 : vector<16xf32>
      %add3A_378 = arith.constant 176 : i32
      %add3A_379 = arith.addi %mul3A_89, %add3A_378 : i32
      %get3A_380 = arith.index_cast %add3A_379 : i32 to index
      %get3A_381 = tpu.vector_load %arg7[%get3A_380] {strides = array<i32>} : memref<16384xf32, #tpu.memory_space<vmem>>, vector<16xf32>,
      %mul3A_382 = arith.mulf %get3A_381, %get3A_381 : vector<16xf32>
      %add3A_383 = arith.addf %add3A_359, %mul3A_382 : vector<16xf32>
      %add3A_384 = arith.constant 176 : i32
      %add3A_385 = arith.addi %mul3A_95, %add3A_384 : i32
      %get3A_386 = arith.index_cast %add3A_385 : i32 to index
      %get3A_387 = tpu.vector_load %arg7[%get3A_386] {strides = array<i32>} : memref<16384xf32, #tpu.memory_space<vmem>>, vector<16xf32>,
      %mul3A_388 = arith.mulf %get3A_387, %get3A_387 : vector<16xf32>
      %add3A_389 = arith.addf %add3A_365, %mul3A_388 : vector<16xf32>
      %add3A_390 = arith.constant 176 : i32
      %add3A_391 = arith.addi %mul3A_101, %add3A_390 : i32
      %get3A_392 = arith.index_cast %add3A_391 : i32 to index
      %get3A_393 = tpu.vector_load %arg7[%get3A_392] {strides = array<i32>} : memref<16384xf32, #tpu.memory_space<vmem>>, vector<16xf32>,
      %mul3A_394 = arith.mulf %get3A_393, %get3A_393 : vector<16xf32>
      %add3A_395 = arith.addf %add3A_371, %mul3A_394 : vector<16xf32>
      %add3A_396 = arith.constant 192 : i32
      %add3A_397 = arith.addi %mul3A_83, %add3A_396 : i32
      %get3A_398 = arith.index_cast %add3A_397 : i32 to index
      %get3A_399 = tpu.vector_load %arg7[%get3A_398] {strides = array<i32>} : memref<16384xf32, #tpu.memory_space<vmem>>, vector<16xf32>,
      %mul3A_400 = arith.mulf %get3A_399, %get3A_399 : vector<16xf32>
      %add3A_401 = arith.addf %add3A_377, %mul3A_400 : vector<16xf32>
      %add3A_402 = arith.constant 192 : i32
      %add3A_403 = arith.addi %mul3A_89, %add3A_402 : i32
      %get3A_404 = arith.index_cast %add3A_403 : i32 to index
      %get3A_405 = tpu.vector_load %arg7[%get3A_404] {strides = array<i32>} : memref<16384xf32, #tpu.memory_space<vmem>>, vector<16xf32>,
      %mul3A_406 = arith.mulf %get3A_405, %get3A_405 : vector<16xf32>
      %add3A_407 = arith.addf %add3A_383, %mul3A_406 : vector<16xf32>
      %add3A_408 = arith.constant 192 : i32
      %add3A_409 = arith.addi %mul3A_95, %add3A_408 : i32
      %get3A_410 = arith.index_cast %add3A_409 : i32 to index
      %get3A_411 = tpu.vector_load %arg7[%get3A_410] {strides = array<i32>} : memref<16384xf32, #tpu.memory_space<vmem>>, vector<16xf32>,
      %mul3A_412 = arith.mulf %get3A_411, %get3A_411 : vector<16xf32>
      %add3A_413 = arith.addf %add3A_389, %mul3A_412 : vector<16xf32>
      %add3A_414 = arith.constant 192 : i32
      %add3A_415 = arith.addi %mul3A_101, %add3A_414 : i32
      %get3A_416 = arith.index_cast %add3A_415 : i32 to index
      %get3A_417 = tpu.vector_load %arg7[%get3A_416] {strides = array<i32>} : memref<16384xf32, #tpu.memory_space<vmem>>, vector<16xf32>,
      %mul3A_418 = arith.mulf %get3A_417, %get3A_417 : vector<16xf32>
      %add3A_419 = arith.addf %add3A_395, %mul3A_418 : vector<16xf32>
      %add3A_420 = arith.constant 208 : i32
      %add3A_421 = arith.addi %mul3A_83, %add3A_420 : i32
      %get3A_422 = arith.index_cast %add3A_421 : i32 to index
      %get3A_423 = tpu.vector_load %arg7[%get3A_422] {strides = array<i32>} : memref<16384xf32, #tpu.memory_space<vmem>>, vector<16xf32>,
      %mul3A_424 = arith.mulf %get3A_423, %get3A_423 : vector<16xf32>
      %add3A_425 = arith.addf %add3A_401, %mul3A_424 : vector<16xf32>
      %add3A_426 = arith.constant 208 : i32
      %add3A_427 = arith.addi %mul3A_89, %add3A_426 : i32
      %get3A_428 = arith.index_cast %add3A_427 : i32 to index
      %get3A_429 = tpu.vector_load %arg7[%get3A_428] {strides = array<i32>} : memref<16384xf32, #tpu.memory_space<vmem>>, vector<16xf32>,
      %mul3A_430 = arith.mulf %get3A_429, %get3A_429 : vector<16xf32>
      %add3A_431 = arith.addf %add3A_407, %mul3A_430 : vector<16xf32>
      %add3A_432 = arith.constant 208 : i32
      %add3A_433 = arith.addi %mul3A_95, %add3A_432 : i32
      %get3A_434 = arith.index_cast %add3A_433 : i32 to index
      %get3A_435 = tpu.vector_load %arg7[%get3A_434] {strides = array<i32>} : memref<16384xf32, #tpu.memory_space<vmem>>, vector<16xf32>,
      %mul3A_436 = arith.mulf %get3A_435, %get3A_435 : vector<16xf32>
      %add3A_437 = arith.addf %add3A_413, %mul3A_436 : vector<16xf32>
      %add3A_438 = arith.constant 208 : i32
      %add3A_439 = arith.addi %mul3A_101, %add3A_438 : i32
      %get3A_440 = arith.index_cast %add3A_439 : i32 to index
      %get3A_441 = tpu.vector_load %arg7[%get3A_440] {strides = array<i32>} : memref<16384xf32, #tpu.memory_space<vmem>>, vector<16xf32>,
      %mul3A_442 = arith.mulf %get3A_441, %get3A_441 : vector<16xf32>
      %add3A_443 = arith.addf %add3A_419, %mul3A_442 : vector<16xf32>
      %add3A_444 = arith.constant 224 : i32
      %add3A_445 = arith.addi %mul3A_83, %add3A_444 : i32
      %get3A_446 = arith.index_cast %add3A_445 : i32 to index
      %get3A_447 = tpu.vector_load %arg7[%get3A_446] {strides = array<i32>} : memref<16384xf32, #tpu.memory_space<vmem>>, vector<16xf32>,
      %mul3A_448 = arith.mulf %get3A_447, %get3A_447 : vector<16xf32>
      %add3A_449 = arith.addf %add3A_425, %mul3A_448 : vector<16xf32>
      %add3A_450 = arith.constant 224 : i32
      %add3A_451 = arith.addi %mul3A_89, %add3A_450 : i32
      %get3A_452 = arith.index_cast %add3A_451 : i32 to index
      %get3A_453 = tpu.vector_load %arg7[%get3A_452] {strides = array<i32>} : memref<16384xf32, #tpu.memory_space<vmem>>, vector<16xf32>,
      %mul3A_454 = arith.mulf %get3A_453, %get3A_453 : vector<16xf32>
      %add3A_455 = arith.addf %add3A_431, %mul3A_454 : vector<16xf32>
      %add3A_456 = arith.constant 224 : i32
      %add3A_457 = arith.addi %mul3A_95, %add3A_456 : i32
      %get3A_458 = arith.index_cast %add3A_457 : i32 to index
      %get3A_459 = tpu.vector_load %arg7[%get3A_458] {strides = array<i32>} : memref<16384xf32, #tpu.memory_space<vmem>>, vector<16xf32>,
      %mul3A_460 = arith.mulf %get3A_459, %get3A_459 : vector<16xf32>
      %add3A_461 = arith.addf %add3A_437, %mul3A_460 : vector<16xf32>
      %add3A_462 = arith.constant 224 : i32
      %add3A_463 = arith.addi %mul3A_101, %add3A_462 : i32
      %get3A_464 = arith.index_cast %add3A_463 : i32 to index
      %get3A_465 = tpu.vector_load %arg7[%get3A_464] {strides = array<i32>} : memref<16384xf32, #tpu.memory_space<vmem>>, vector<16xf32>,
      %mul3A_466 = arith.mulf %get3A_465, %get3A_465 : vector<16xf32>
      %add3A_467 = arith.addf %add3A_443, %mul3A_466 : vector<16xf32>
      %add3A_468 = arith.constant 240 : i32
      %add3A_469 = arith.addi %mul3A_83, %add3A_468 : i32
      %get3A_470 = arith.index_cast %add3A_469 : i32 to index
      %get3A_471 = tpu.vector_load %arg7[%get3A_470] {strides = array<i32>} : memref<16384xf32, #tpu.memory_space<vmem>>, vector<16xf32>,
      %mul3A_472 = arith.mulf %get3A_471, %get3A_471 : vector<16xf32>
      %add3A_473 = arith.addf %add3A_449, %mul3A_472 : vector<16xf32>
      %add3A_474 = arith.constant 240 : i32
      %add3A_475 = arith.addi %mul3A_89, %add3A_474 : i32
      %get3A_476 = arith.index_cast %add3A_475 : i32 to index
      %get3A_477 = tpu.vector_load %arg7[%get3A_476] {strides = array<i32>} : memref<16384xf32, #tpu.memory_space<vmem>>, vector<16xf32>,
      %mul3A_478 = arith.mulf %get3A_477, %get3A_477 : vector<16xf32>
      %add3A_479 = arith.addf %add3A_455, %mul3A_478 : vector<16xf32>
      %add3A_480 = arith.constant 240 : i32
      %add3A_481 = arith.addi %mul3A_95, %add3A_480 : i32
      %get3A_482 = arith.index_cast %add3A_481 : i32 to index
      %get3A_483 = tpu.vector_load %arg7[%get3A_482] {strides = array<i32>} : memref<16384xf32, #tpu.memory_space<vmem>>, vector<16xf32>,
      %mul3A_484 = arith.mulf %get3A_483, %get3A_483 : vector<16xf32>
      %add3A_485 = arith.addf %add3A_461, %mul3A_484 : vector<16xf32>
      %add3A_486 = arith.constant 240 : i32
      %add3A_487 = arith.addi %mul3A_101, %add3A_486 : i32
      %get3A_488 = arith.index_cast %add3A_487 : i32 to index
      %get3A_489 = tpu.vector_load %arg7[%get3A_488] {strides = array<i32>} : memref<16384xf32, #tpu.memory_space<vmem>>, vector<16xf32>,
      %mul3A_490 = arith.mulf %get3A_489, %get3A_489 : vector<16xf32>
      %add3A_491 = arith.addf %add3A_467, %mul3A_490 : vector<16xf32>
      %reduce_sum3A = arith.constant true
      %reduce_sum3A_492 = vector.broadcast %reduce_sum3A : i1 to vector<16xi1>
      %reduce_sum3A_493 = tpu.scan <sum>, %add3A_473 masked %reduce_sum3A_492 : vector<16xf32>, vector<16xi1> -> vector<16xf32>
      %reduce_sum3A_494 = vector.extract %reduce_sum3A_493[15] : f32 from vector<16xf32>
      %broadcast_in_dim3A_495 = vector.broadcast %reduce_sum3A_494 : f32 to vector<16xf32>
      %bitcast_convert_type3A = tpu.bitcast %broadcast_in_dim3A_495 : vector<16xf32> -> vector<16xi32>
      %shift_right_logical3A = arith.constant 1 : i32
      %shift_right_logical3A_496 = vector.broadcast %shift_right_logical3A : i32 to vector<16xi32>
      %shift_right_logical3A_497 = arith.shrui %bitcast_convert_type3A, %shift_right_logical3A_496 : vector<16xi32>
      %sub3A_498 = arith.constant 1597463007 : i32
      %sub3A_499 = vector.broadcast %sub3A_498 : i32 to vector<16xi32>
      %sub3A_500 = arith.subi %sub3A_499, %shift_right_logical3A_497 : vector<16xi32>
      %bitcast_convert_type3A_501 = tpu.bitcast %sub3A_500 : vector<16xi32> -> vector<16xf32>
      %mul3A_502 = arith.constant 5.000000e-01 : f32
      %mul3A_503 = vector.broadcast %mul3A_502 : f32 to vector<16xf32>
      %mul3A_504 = arith.mulf %mul3A_503, %broadcast_in_dim3A_495 : vector<16xf32>
      %mul3A_505 = arith.mulf %mul3A_504, %bitcast_convert_type3A_501 : vector<16xf32>
      %mul3A_506 = arith.mulf %mul3A_505, %bitcast_convert_type3A_501 : vector<16xf32>
      %sub3A_507 = arith.constant 1.500000e+00 : f32
      %sub3A_508 = vector.broadcast %sub3A_507 : f32 to vector<16xf32>
      %sub3A_509 = arith.subf %sub3A_508, %mul3A_506 : vector<16xf32>
      %mul3A_510 = arith.mulf %bitcast_convert_type3A_501, %sub3A_509 : vector<16xf32>
      %mul3A_511 = arith.constant 5.000000e-01 : f32
      %mul3A_512 = vector.broadcast %mul3A_511 : f32 to vector<16xf32>
      %mul3A_513 = arith.mulf %mul3A_512, %broadcast_in_dim3A_495 : vector<16xf32>
      %mul3A_514 = arith.mulf %mul3A_513, %mul3A_510 : vector<16xf32>
      %mul3A_515 = arith.mulf %mul3A_514, %mul3A_510 : vector<16xf32>
      %sub3A_516 = arith.constant 1.500000e+00 : f32
      %sub3A_517 = vector.broadcast %sub3A_516 : f32 to vector<16xf32>
      %sub3A_518 = arith.subf %sub3A_517, %mul3A_515 : vector<16xf32>
      %mul3A_519 = arith.mulf %mul3A_510, %sub3A_518 : vector<16xf32>
      %mul3A_520 = arith.constant 5.000000e-01 : f32
      %mul3A_521 = vector.broadcast %mul3A_520 : f32 to vector<16xf32>
      %mul3A_522 = arith.mulf %mul3A_521, %broadcast_in_dim3A_495 : vector<16xf32>
      %mul3A_523 = arith.mulf %mul3A_522, %mul3A_519 : vector<16xf32>
      %mul3A_524 = arith.mulf %mul3A_523, %mul3A_519 : vector<16xf32>
      %sub3A_525 = arith.constant 1.500000e+00 : f32
      %sub3A_526 = vector.broadcast %sub3A_525 : f32 to vector<16xf32>
      %sub3A_527 = arith.subf %sub3A_526, %mul3A_524 : vector<16xf32>
      %mul3A_528 = arith.mulf %mul3A_519, %sub3A_527 : vector<16xf32>
      %mul3A_529 = arith.mulf %broadcast_in_dim3A_495, %mul3A_528 : vector<16xf32>
      %add3A_530 = arith.constant 1.000000e-07 : f32
      %add3A_531 = vector.broadcast %add3A_530 : f32 to vector<16xf32>
      %add3A_532 = arith.addf %mul3A_529, %add3A_531 : vector<16xf32>
      %bitcast_convert_type3A_533 = tpu.bitcast %add3A_532 : vector<16xf32> -> vector<16xi32>
      %shift_right_logical3A_534 = arith.constant 1 : i32
      %shift_right_logical3A_535 = vector.broadcast %shift_right_logical3A_534 : i32 to vector<16xi32>
      %shift_right_logical3A_536 = arith.shrui %bitcast_convert_type3A_533, %shift_right_logical3A_535 : vector<16xi32>
      %sub3A_537 = arith.constant 1597463007 : i32
      %sub3A_538 = vector.broadcast %sub3A_537 : i32 to vector<16xi32>
      %sub3A_539 = arith.subi %sub3A_538, %shift_right_logical3A_536 : vector<16xi32>
      %bitcast_convert_type3A_540 = tpu.bitcast %sub3A_539 : vector<16xi32> -> vector<16xf32>
      %mul3A_541 = arith.constant 5.000000e-01 : f32
      %mul3A_542 = vector.broadcast %mul3A_541 : f32 to vector<16xf32>
      %mul3A_543 = arith.mulf %mul3A_542, %add3A_532 : vector<16xf32>
      %mul3A_544 = arith.mulf %mul3A_543, %bitcast_convert_type3A_540 : vector<16xf32>
      %mul3A_545 = arith.mulf %mul3A_544, %bitcast_convert_type3A_540 : vector<16xf32>
      %sub3A_546 = arith.constant 1.500000e+00 : f32
      %sub3A_547 = vector.broadcast %sub3A_546 : f32 to vector<16xf32>
      %sub3A_548 = arith.subf %sub3A_547, %mul3A_545 : vector<16xf32>
      %mul3A_549 = arith.mulf %bitcast_convert_type3A_540, %sub3A_548 : vector<16xf32>
      %mul3A_550 = arith.constant 5.000000e-01 : f32
      %mul3A_551 = vector.broadcast %mul3A_550 : f32 to vector<16xf32>
      %mul3A_552 = arith.mulf %mul3A_551, %add3A_532 : vector<16xf32>
      %mul3A_553 = arith.mulf %mul3A_552, %mul3A_549 : vector<16xf32>
      %mul3A_554 = arith.mulf %mul3A_553, %mul3A_549 : vector<16xf32>
      %sub3A_555 = arith.constant 1.500000e+00 : f32
      %sub3A_556 = vector.broadcast %sub3A_555 : f32 to vector<16xf32>
      %sub3A_557 = arith.subf %sub3A_556, %mul3A_554 : vector<16xf32>
      %mul3A_558 = arith.mulf %mul3A_549, %sub3A_557 : vector<16xf32>
      %mul3A_559 = arith.constant 5.000000e-01 : f32
      %mul3A_560 = vector.broadcast %mul3A_559 : f32 to vector<16xf32>
      %mul3A_561 = arith.mulf %mul3A_560, %add3A_532 : vector<16xf32>
      %mul3A_562 = arith.mulf %mul3A_561, %mul3A_558 : vector<16xf32>
      %mul3A_563 = arith.mulf %mul3A_562, %mul3A_558 : vector<16xf32>
      %sub3A_564 = arith.constant 1.500000e+00 : f32
      %sub3A_565 = vector.broadcast %sub3A_564 : f32 to vector<16xf32>
      %sub3A_566 = arith.subf %sub3A_565, %mul3A_563 : vector<16xf32>
      %mul3A_567 = arith.mulf %mul3A_558, %sub3A_566 : vector<16xf32>
      %mul3A_568 = arith.mulf %mul3A_567, %mul3A_567 : vector<16xf32>
      %reduce_sum3A_569 = arith.constant true
      %reduce_sum3A_570 = vector.broadcast %reduce_sum3A_569 : i1 to vector<16xi1>
      %reduce_sum3A_571 = tpu.scan <sum>, %add3A_479 masked %reduce_sum3A_570 : vector<16xf32>, vector<16xi1> -> vector<16xf32>
      %reduce_sum3A_572 = vector.extract %reduce_sum3A_571[15] : f32 from vector<16xf32>
      %broadcast_in_dim3A_573 = vector.broadcast %reduce_sum3A_572 : f32 to vector<16xf32>
      %bitcast_convert_type3A_574 = tpu.bitcast %broadcast_in_dim3A_573 : vector<16xf32> -> vector<16xi32>
      %shift_right_logical3A_575 = arith.constant 1 : i32
      %shift_right_logical3A_576 = vector.broadcast %shift_right_logical3A_575 : i32 to vector<16xi32>
      %shift_right_logical3A_577 = arith.shrui %bitcast_convert_type3A_574, %shift_right_logical3A_576 : vector<16xi32>
      %sub3A_578 = arith.constant 1597463007 : i32
      %sub3A_579 = vector.broadcast %sub3A_578 : i32 to vector<16xi32>
      %sub3A_580 = arith.subi %sub3A_579, %shift_right_logical3A_577 : vector<16xi32>
      %bitcast_convert_type3A_581 = tpu.bitcast %sub3A_580 : vector<16xi32> -> vector<16xf32>
      %mul3A_582 = arith.constant 5.000000e-01 : f32
      %mul3A_583 = vector.broadcast %mul3A_582 : f32 to vector<16xf32>
      %mul3A_584 = arith.mulf %mul3A_583, %broadcast_in_dim3A_573 : vector<16xf32>
      %mul3A_585 = arith.mulf %mul3A_584, %bitcast_convert_type3A_581 : vector<16xf32>
      %mul3A_586 = arith.mulf %mul3A_585, %bitcast_convert_type3A_581 : vector<16xf32>
      %sub3A_587 = arith.constant 1.500000e+00 : f32
      %sub3A_588 = vector.broadcast %sub3A_587 : f32 to vector<16xf32>
      %sub3A_589 = arith.subf %sub3A_588, %mul3A_586 : vector<16xf32>
      %mul3A_590 = arith.mulf %bitcast_convert_type3A_581, %sub3A_589 : vector<16xf32>
      %mul3A_591 = arith.constant 5.000000e-01 : f32
      %mul3A_592 = vector.broadcast %mul3A_591 : f32 to vector<16xf32>
      %mul3A_593 = arith.mulf %mul3A_592, %broadcast_in_dim3A_573 : vector<16xf32>
      %mul3A_594 = arith.mulf %mul3A_593, %mul3A_590 : vector<16xf32>
      %mul3A_595 = arith.mulf %mul3A_594, %mul3A_590 : vector<16xf32>
      %sub3A_596 = arith.constant 1.500000e+00 : f32
      %sub3A_597 = vector.broadcast %sub3A_596 : f32 to vector<16xf32>
      %sub3A_598 = arith.subf %sub3A_597, %mul3A_595 : vector<16xf32>
      %mul3A_599 = arith.mulf %mul3A_590, %sub3A_598 : vector<16xf32>
      %mul3A_600 = arith.constant 5.000000e-01 : f32
      %mul3A_601 = vector.broadcast %mul3A_600 : f32 to vector<16xf32>
      %mul3A_602 = arith.mulf %mul3A_601, %broadcast_in_dim3A_573 : vector<16xf32>
      %mul3A_603 = arith.mulf %mul3A_602, %mul3A_599 : vector<16xf32>
      %mul3A_604 = arith.mulf %mul3A_603, %mul3A_599 : vector<16xf32>
      %sub3A_605 = arith.constant 1.500000e+00 : f32
      %sub3A_606 = vector.broadcast %sub3A_605 : f32 to vector<16xf32>
      %sub3A_607 = arith.subf %sub3A_606, %mul3A_604 : vector<16xf32>
      %mul3A_608 = arith.mulf %mul3A_599, %sub3A_607 : vector<16xf32>
      %mul3A_609 = arith.mulf %broadcast_in_dim3A_573, %mul3A_608 : vector<16xf32>
      %add3A_610 = arith.constant 1.000000e-07 : f32
      %add3A_611 = vector.broadcast %add3A_610 : f32 to vector<16xf32>
      %add3A_612 = arith.addf %mul3A_609, %add3A_611 : vector<16xf32>
      %bitcast_convert_type3A_613 = tpu.bitcast %add3A_612 : vector<16xf32> -> vector<16xi32>
      %shift_right_logical3A_614 = arith.constant 1 : i32
      %shift_right_logical3A_615 = vector.broadcast %shift_right_logical3A_614 : i32 to vector<16xi32>
      %shift_right_logical3A_616 = arith.shrui %bitcast_convert_type3A_613, %shift_right_logical3A_615 : vector<16xi32>
      %sub3A_617 = arith.constant 1597463007 : i32
      %sub3A_618 = vector.broadcast %sub3A_617 : i32 to vector<16xi32>
      %sub3A_619 = arith.subi %sub3A_618, %shift_right_logical3A_616 : vector<16xi32>
      %bitcast_convert_type3A_620 = tpu.bitcast %sub3A_619 : vector<16xi32> -> vector<16xf32>
      %mul3A_621 = arith.constant 5.000000e-01 : f32
      %mul3A_622 = vector.broadcast %mul3A_621 : f32 to vector<16xf32>
      %mul3A_623 = arith.mulf %mul3A_622, %add3A_612 : vector<16xf32>
      %mul3A_624 = arith.mulf %mul3A_623, %bitcast_convert_type3A_620 : vector<16xf32>
      %mul3A_625 = arith.mulf %mul3A_624, %bitcast_convert_type3A_620 : vector<16xf32>
      %sub3A_626 = arith.constant 1.500000e+00 : f32
      %sub3A_627 = vector.broadcast %sub3A_626 : f32 to vector<16xf32>
      %sub3A_628 = arith.subf %sub3A_627, %mul3A_625 : vector<16xf32>
      %mul3A_629 = arith.mulf %bitcast_convert_type3A_620, %sub3A_628 : vector<16xf32>
      %mul3A_630 = arith.constant 5.000000e-01 : f32
      %mul3A_631 = vector.broadcast %mul3A_630 : f32 to vector<16xf32>
      %mul3A_632 = arith.mulf %mul3A_631, %add3A_612 : vector<16xf32>
      %mul3A_633 = arith.mulf %mul3A_632, %mul3A_629 : vector<16xf32>
      %mul3A_634 = arith.mulf %mul3A_633, %mul3A_629 : vector<16xf32>
      %sub3A_635 = arith.constant 1.500000e+00 : f32
      %sub3A_636 = vector.broadcast %sub3A_635 : f32 to vector<16xf32>
      %sub3A_637 = arith.subf %sub3A_636, %mul3A_634 : vector<16xf32>
      %mul3A_638 = arith.mulf %mul3A_629, %sub3A_637 : vector<16xf32>
      %mul3A_639 = arith.constant 5.000000e-01 : f32
      %mul3A_640 = vector.broadcast %mul3A_639 : f32 to vector<16xf32>
      %mul3A_641 = arith.mulf %mul3A_640, %add3A_612 : vector<16xf32>
      %mul3A_642 = arith.mulf %mul3A_641, %mul3A_638 : vector<16xf32>
      %mul3A_643 = arith.mulf %mul3A_642, %mul3A_638 : vector<16xf32>
      %sub3A_644 = arith.constant 1.500000e+00 : f32
      %sub3A_645 = vector.broadcast %sub3A_644 : f32 to vector<16xf32>
      %sub3A_646 = arith.subf %sub3A_645, %mul3A_643 : vector<16xf32>
      %mul3A_647 = arith.mulf %mul3A_638, %sub3A_646 : vector<16xf32>
      %mul3A_648 = arith.mulf %mul3A_647, %mul3A_647 : vector<16xf32>
      %reduce_sum3A_649 = arith.constant true
      %reduce_sum3A_650 = vector.broadcast %reduce_sum3A_649 : i1 to vector<16xi1>
      %reduce_sum3A_651 = tpu.scan <sum>, %add3A_485 masked %reduce_sum3A_650 : vector<16xf32>, vector<16xi1> -> vector<16xf32>
      %reduce_sum3A_652 = vector.extract %reduce_sum3A_651[15] : f32 from vector<16xf32>
      %broadcast_in_dim3A_653 = vector.broadcast %reduce_sum3A_652 : f32 to vector<16xf32>
      %bitcast_convert_type3A_654 = tpu.bitcast %broadcast_in_dim3A_653 : vector<16xf32> -> vector<16xi32>
      %shift_right_logical3A_655 = arith.constant 1 : i32
      %shift_right_logical3A_656 = vector.broadcast %shift_right_logical3A_655 : i32 to vector<16xi32>
      %shift_right_logical3A_657 = arith.shrui %bitcast_convert_type3A_654, %shift_right_logical3A_656 : vector<16xi32>
      %sub3A_658 = arith.constant 1597463007 : i32
      %sub3A_659 = vector.broadcast %sub3A_658 : i32 to vector<16xi32>
      %sub3A_660 = arith.subi %sub3A_659, %shift_right_logical3A_657 : vector<16xi32>
      %bitcast_convert_type3A_661 = tpu.bitcast %sub3A_660 : vector<16xi32> -> vector<16xf32>
      %mul3A_662 = arith.constant 5.000000e-01 : f32
      %mul3A_663 = vector.broadcast %mul3A_662 : f32 to vector<16xf32>
      %mul3A_664 = arith.mulf %mul3A_663, %broadcast_in_dim3A_653 : vector<16xf32>
      %mul3A_665 = arith.mulf %mul3A_664, %bitcast_convert_type3A_661 : vector<16xf32>
      %mul3A_666 = arith.mulf %mul3A_665, %bitcast_convert_type3A_661 : vector<16xf32>
      %sub3A_667 = arith.constant 1.500000e+00 : f32
      %sub3A_668 = vector.broadcast %sub3A_667 : f32 to vector<16xf32>
      %sub3A_669 = arith.subf %sub3A_668, %mul3A_666 : vector<16xf32>
      %mul3A_670 = arith.mulf %bitcast_convert_type3A_661, %sub3A_669 : vector<16xf32>
      %mul3A_671 = arith.constant 5.000000e-01 : f32
      %mul3A_672 = vector.broadcast %mul3A_671 : f32 to vector<16xf32>
      %mul3A_673 = arith.mulf %mul3A_672, %broadcast_in_dim3A_653 : vector<16xf32>
      %mul3A_674 = arith.mulf %mul3A_673, %mul3A_670 : vector<16xf32>
      %mul3A_675 = arith.mulf %mul3A_674, %mul3A_670 : vector<16xf32>
      %sub3A_676 = arith.constant 1.500000e+00 : f32
      %sub3A_677 = vector.broadcast %sub3A_676 : f32 to vector<16xf32>
      %sub3A_678 = arith.subf %sub3A_677, %mul3A_675 : vector<16xf32>
      %mul3A_679 = arith.mulf %mul3A_670, %sub3A_678 : vector<16xf32>
      %mul3A_680 = arith.constant 5.000000e-01 : f32
      %mul3A_681 = vector.broadcast %mul3A_680 : f32 to vector<16xf32>
      %mul3A_682 = arith.mulf %mul3A_681, %broadcast_in_dim3A_653 : vector<16xf32>
      %mul3A_683 = arith.mulf %mul3A_682, %mul3A_679 : vector<16xf32>
      %mul3A_684 = arith.mulf %mul3A_683, %mul3A_679 : vector<16xf32>
      %sub3A_685 = arith.constant 1.500000e+00 : f32
      %sub3A_686 = vector.broadcast %sub3A_685 : f32 to vector<16xf32>
      %sub3A_687 = arith.subf %sub3A_686, %mul3A_684 : vector<16xf32>
      %mul3A_688 = arith.mulf %mul3A_679, %sub3A_687 : vector<16xf32>
      %mul3A_689 = arith.mulf %broadcast_in_dim3A_653, %mul3A_688 : vector<16xf32>
      %add3A_690 = arith.constant 1.000000e-07 : f32
      %add3A_691 = vector.broadcast %add3A_690 : f32 to vector<16xf32>
      %add3A_692 = arith.addf %mul3A_689, %add3A_691 : vector<16xf32>
      %bitcast_convert_type3A_693 = tpu.bitcast %add3A_692 : vector<16xf32> -> vector<16xi32>
      %shift_right_logical3A_694 = arith.constant 1 : i32
      %shift_right_logical3A_695 = vector.broadcast %shift_right_logical3A_694 : i32 to vector<16xi32>
      %shift_right_logical3A_696 = arith.shrui %bitcast_convert_type3A_693, %shift_right_logical3A_695 : vector<16xi32>
      %sub3A_697 = arith.constant 1597463007 : i32
      %sub3A_698 = vector.broadcast %sub3A_697 : i32 to vector<16xi32>
      %sub3A_699 = arith.subi %sub3A_698, %shift_right_logical3A_696 : vector<16xi32>
      %bitcast_convert_type3A_700 = tpu.bitcast %sub3A_699 : vector<16xi32> -> vector<16xf32>
      %mul3A_701 = arith.constant 5.000000e-01 : f32
      %mul3A_702 = vector.broadcast %mul3A_701 : f32 to vector<16xf32>
      %mul3A_703 = arith.mulf %mul3A_702, %add3A_692 : vector<16xf32>
      %mul3A_704 = arith.mulf %mul3A_703, %bitcast_convert_type3A_700 : vector<16xf32>
      %mul3A_705 = arith.mulf %mul3A_704, %bitcast_convert_type3A_700 : vector<16xf32>
      %sub3A_706 = arith.constant 1.500000e+00 : f32
      %sub3A_707 = vector.broadcast %sub3A_706 : f32 to vector<16xf32>
      %sub3A_708 = arith.subf %sub3A_707, %mul3A_705 : vector<16xf32>
      %mul3A_709 = arith.mulf %bitcast_convert_type3A_700, %sub3A_708 : vector<16xf32>
      %mul3A_710 = arith.constant 5.000000e-01 : f32
      %mul3A_711 = vector.broadcast %mul3A_710 : f32 to vector<16xf32>
      %mul3A_712 = arith.mulf %mul3A_711, %add3A_692 : vector<16xf32>
      %mul3A_713 = arith.mulf %mul3A_712, %mul3A_709 : vector<16xf32>
      %mul3A_714 = arith.mulf %mul3A_713, %mul3A_709 : vector<16xf32>
      %sub3A_715 = arith.constant 1.500000e+00 : f32
      %sub3A_716 = vector.broadcast %sub3A_715 : f32 to vector<16xf32>
      %sub3A_717 = arith.subf %sub3A_716, %mul3A_714 : vector<16xf32>
      %mul3A_718 = arith.mulf %mul3A_709, %sub3A_717 : vector<16xf32>
      %mul3A_719 = arith.constant 5.000000e-01 : f32
      %mul3A_720 = vector.broadcast %mul3A_719 : f32 to vector<16xf32>
      %mul3A_721 = arith.mulf %mul3A_720, %add3A_692 : vector<16xf32>
      %mul3A_722 = arith.mulf %mul3A_721, %mul3A_718 : vector<16xf32>
      %mul3A_723 = arith.mulf %mul3A_722, %mul3A_718 : vector<16xf32>
      %sub3A_724 = arith.constant 1.500000e+00 : f32
      %sub3A_725 = vector.broadcast %sub3A_724 : f32 to vector<16xf32>
      %sub3A_726 = arith.subf %sub3A_725, %mul3A_723 : vector<16xf32>
      %mul3A_727 = arith.mulf %mul3A_718, %sub3A_726 : vector<16xf32>
      %mul3A_728 = arith.mulf %mul3A_727, %mul3A_727 : vector<16xf32>
      %reduce_sum3A_729 = arith.constant true
      %reduce_sum3A_730 = vector.broadcast %reduce_sum3A_729 : i1 to vector<16xi1>
      %reduce_sum3A_731 = tpu.scan <sum>, %add3A_491 masked %reduce_sum3A_730 : vector<16xf32>, vector<16xi1> -> vector<16xf32>
      %reduce_sum3A_732 = vector.extract %reduce_sum3A_731[15] : f32 from vector<16xf32>
      %broadcast_in_dim3A_733 = vector.broadcast %reduce_sum3A_732 : f32 to vector<16xf32>
      %bitcast_convert_type3A_734 = tpu.bitcast %broadcast_in_dim3A_733 : vector<16xf32> -> vector<16xi32>
      %shift_right_logical3A_735 = arith.constant 1 : i32
      %shift_right_logical3A_736 = vector.broadcast %shift_right_logical3A_735 : i32 to vector<16xi32>
      %shift_right_logical3A_737 = arith.shrui %bitcast_convert_type3A_734, %shift_right_logical3A_736 : vector<16xi32>
      %sub3A_738 = arith.constant 1597463007 : i32
      %sub3A_739 = vector.broadcast %sub3A_738 : i32 to vector<16xi32>
      %sub3A_740 = arith.subi %sub3A_739, %shift_right_logical3A_737 : vector<16xi32>
      %bitcast_convert_type3A_741 = tpu.bitcast %sub3A_740 : vector<16xi32> -> vector<16xf32>
      %mul3A_742 = arith.constant 5.000000e-01 : f32
      %mul3A_743 = vector.broadcast %mul3A_742 : f32 to vector<16xf32>
      %mul3A_744 = arith.mulf %mul3A_743, %broadcast_in_dim3A_733 : vector<16xf32>
      %mul3A_745 = arith.mulf %mul3A_744, %bitcast_convert_type3A_741 : vector<16xf32>
      %mul3A_746 = arith.mulf %mul3A_745, %bitcast_convert_type3A_741 : vector<16xf32>
      %sub3A_747 = arith.constant 1.500000e+00 : f32
      %sub3A_748 = vector.broadcast %sub3A_747 : f32 to vector<16xf32>
      %sub3A_749 = arith.subf %sub3A_748, %mul3A_746 : vector<16xf32>
      %mul3A_750 = arith.mulf %bitcast_convert_type3A_741, %sub3A_749 : vector<16xf32>
      %mul3A_751 = arith.constant 5.000000e-01 : f32
      %mul3A_752 = vector.broadcast %mul3A_751 : f32 to vector<16xf32>
      %mul3A_753 = arith.mulf %mul3A_752, %broadcast_in_dim3A_733 : vector<16xf32>
      %mul3A_754 = arith.mulf %mul3A_753, %mul3A_750 : vector<16xf32>
      %mul3A_755 = arith.mulf %mul3A_754, %mul3A_750 : vector<16xf32>
      %sub3A_756 = arith.constant 1.500000e+00 : f32
      %sub3A_757 = vector.broadcast %sub3A_756 : f32 to vector<16xf32>
      %sub3A_758 = arith.subf %sub3A_757, %mul3A_755 : vector<16xf32>
      %mul3A_759 = arith.mulf %mul3A_750, %sub3A_758 : vector<16xf32>
      %mul3A_760 = arith.constant 5.000000e-01 : f32
      %mul3A_761 = vector.broadcast %mul3A_760 : f32 to vector<16xf32>
      %mul3A_762 = arith.mulf %mul3A_761, %broadcast_in_dim3A_733 : vector<16xf32>
      %mul3A_763 = arith.mulf %mul3A_762, %mul3A_759 : vector<16xf32>
      %mul3A_764 = arith.mulf %mul3A_763, %mul3A_759 : vector<16xf32>
      %sub3A_765 = arith.constant 1.500000e+00 : f32
      %sub3A_766 = vector.broadcast %sub3A_765 : f32 to vector<16xf32>
      %sub3A_767 = arith.subf %sub3A_766, %mul3A_764 : vector<16xf32>
      %mul3A_768 = arith.mulf %mul3A_759, %sub3A_767 : vector<16xf32>
      %mul3A_769 = arith.mulf %broadcast_in_dim3A_733, %mul3A_768 : vector<16xf32>
      %add3A_770 = arith.constant 1.000000e-07 : f32
      %add3A_771 = vector.broadcast %add3A_770 : f32 to vector<16xf32>
      %add3A_772 = arith.addf %mul3A_769, %add3A_771 : vector<16xf32>
      %bitcast_convert_type3A_773 = tpu.bitcast %add3A_772 : vector<16xf32> -> vector<16xi32>
      %shift_right_logical3A_774 = arith.constant 1 : i32
      %shift_right_logical3A_775 = vector.broadcast %shift_right_logical3A_774 : i32 to vector<16xi32>
      %shift_right_logical3A_776 = arith.shrui %bitcast_convert_type3A_773, %shift_right_logical3A_775 : vector<16xi32>
      %sub3A_777 = arith.constant 1597463007 : i32
      %sub3A_778 = vector.broadcast %sub3A_777 : i32 to vector<16xi32>
      %sub3A_779 = arith.subi %sub3A_778, %shift_right_logical3A_776 : vector<16xi32>
      %bitcast_convert_type3A_780 = tpu.bitcast %sub3A_779 : vector<16xi32> -> vector<16xf32>
      %mul3A_781 = arith.constant 5.000000e-01 : f32
      %mul3A_782 = vector.broadcast %mul3A_781 : f32 to vector<16xf32>
      %mul3A_783 = arith.mulf %mul3A_782, %add3A_772 : vector<16xf32>
      %mul3A_784 = arith.mulf %mul3A_783, %bitcast_convert_type3A_780 : vector<16xf32>
      %mul3A_785 = arith.mulf %mul3A_784, %bitcast_convert_type3A_780 : vector<16xf32>
      %sub3A_786 = arith.constant 1.500000e+00 : f32
      %sub3A_787 = vector.broadcast %sub3A_786 : f32 to vector<16xf32>
      %sub3A_788 = arith.subf %sub3A_787, %mul3A_785 : vector<16xf32>
      %mul3A_789 = arith.mulf %bitcast_convert_type3A_780, %sub3A_788 : vector<16xf32>
      %mul3A_790 = arith.constant 5.000000e-01 : f32
      %mul3A_791 = vector.broadcast %mul3A_790 : f32 to vector<16xf32>
      %mul3A_792 = arith.mulf %mul3A_791, %add3A_772 : vector<16xf32>
      %mul3A_793 = arith.mulf %mul3A_792, %mul3A_789 : vector<16xf32>
      %mul3A_794 = arith.mulf %mul3A_793, %mul3A_789 : vector<16xf32>
      %sub3A_795 = arith.constant 1.500000e+00 : f32
      %sub3A_796 = vector.broadcast %sub3A_795 : f32 to vector<16xf32>
      %sub3A_797 = arith.subf %sub3A_796, %mul3A_794 : vector<16xf32>
      %mul3A_798 = arith.mulf %mul3A_789, %sub3A_797 : vector<16xf32>
      %mul3A_799 = arith.constant 5.000000e-01 : f32
      %mul3A_800 = vector.broadcast %mul3A_799 : f32 to vector<16xf32>
      %mul3A_801 = arith.mulf %mul3A_800, %add3A_772 : vector<16xf32>
      %mul3A_802 = arith.mulf %mul3A_801, %mul3A_798 : vector<16xf32>
      %mul3A_803 = arith.mulf %mul3A_802, %mul3A_798 : vector<16xf32>
      %sub3A_804 = arith.constant 1.500000e+00 : f32
      %sub3A_805 = vector.broadcast %sub3A_804 : f32 to vector<16xf32>
      %sub3A_806 = arith.subf %sub3A_805, %mul3A_803 : vector<16xf32>
      %mul3A_807 = arith.mulf %mul3A_798, %sub3A_806 : vector<16xf32>
      %mul3A_808 = arith.mulf %mul3A_807, %mul3A_807 : vector<16xf32>
      %add3A_809 = arith.constant 0 : i32
      %add3A_810 = arith.addi %mul3A_83, %add3A_809 : i32
      %get3A_811 = arith.index_cast %add3A_810 : i32 to index
      %get3A_812 = tpu.vector_load %arg7[%get3A_811] {strides = array<i32>} : memref<16384xf32, #tpu.memory_space<vmem>>, vector<16xf32>,
      %mul3A_813 = arith.mulf %get3A_812, %mul3A_568 : vector<16xf32>
      %add3A_814 = arith.constant 0 : i32
      %add3A_815 = arith.addi %mul3A_83, %add3A_814 : i32
      %swap3A = arith.index_cast %add3A_815 : i32 to index
      %swap3A_816 = tpu.vector_load %arg7[%swap3A] {strides = array<i32>} : memref<16384xf32, #tpu.memory_space<vmem>>, vector<16xf32>,
      tpu.vector_store %arg7[%swap3A], %mul3A_813 {strides = array<i32>} : memref<16384xf32, #tpu.memory_space<vmem>>, vector<16xf32>,
      %add3A_817 = arith.constant 0 : i32
      %add3A_818 = arith.addi %mul3A_89, %add3A_817 : i32
      %get3A_819 = arith.index_cast %add3A_818 : i32 to index
      %get3A_820 = tpu.vector_load %arg7[%get3A_819] {strides = array<i32>} : memref<16384xf32, #tpu.memory_space<vmem>>, vector<16xf32>,
      %mul3A_821 = arith.mulf %get3A_820, %mul3A_648 : vector<16xf32>
      %add3A_822 = arith.constant 0 : i32
      %add3A_823 = arith.addi %mul3A_89, %add3A_822 : i32
      %swap3A_824 = arith.index_cast %add3A_823 : i32 to index
      %swap3A_825 = tpu.vector_load %arg7[%swap3A_824] {strides = array<i32>} : memref<16384xf32, #tpu.memory_space<vmem>>, vector<16xf32>,
      tpu.vector_store %arg7[%swap3A_824], %mul3A_821 {strides = array<i32>} : memref<16384xf32, #tpu.memory_space<vmem>>, vector<16xf32>,
      %add3A_826 = arith.constant 0 : i32
      %add3A_827 = arith.addi %mul3A_95, %add3A_826 : i32
      %get3A_828 = arith.index_cast %add3A_827 : i32 to index
      %get3A_829 = tpu.vector_load %arg7[%get3A_828] {strides = array<i32>} : memref<16384xf32, #tpu.memory_space<vmem>>, vector<16xf32>,
      %mul3A_830 = arith.mulf %get3A_829, %mul3A_728 : vector<16xf32>
      %add3A_831 = arith.constant 0 : i32
      %add3A_832 = arith.addi %mul3A_95, %add3A_831 : i32
      %swap3A_833 = arith.index_cast %add3A_832 : i32 to index
      %swap3A_834 = tpu.vector_load %arg7[%swap3A_833] {strides = array<i32>} : memref<16384xf32, #tpu.memory_space<vmem>>, vector<16xf32>,
      tpu.vector_store %arg7[%swap3A_833], %mul3A_830 {strides = array<i32>} : memref<16384xf32, #tpu.memory_space<vmem>>, vector<16xf32>,
      %add3A_835 = arith.constant 0 : i32
      %add3A_836 = arith.addi %mul3A_101, %add3A_835 : i32
      %get3A_837 = arith.index_cast %add3A_836 : i32 to index
      %get3A_838 = tpu.vector_load %arg7[%get3A_837] {strides = array<i32>} : memref<16384xf32, #tpu.memory_space<vmem>>, vector<16xf32>,
      %mul3A_839 = arith.mulf %get3A_838, %mul3A_808 : vector<16xf32>
      %add3A_840 = arith.constant 0 : i32
      %add3A_841 = arith.addi %mul3A_101, %add3A_840 : i32
      %swap3A_842 = arith.index_cast %add3A_841 : i32 to index
      %swap3A_843 = tpu.vector_load %arg7[%swap3A_842] {strides = array<i32>} : memref<16384xf32, #tpu.memory_space<vmem>>, vector<16xf32>,
      tpu.vector_store %arg7[%swap3A_842], %mul3A_839 {strides = array<i32>} : memref<16384xf32, #tpu.memory_space<vmem>>, vector<16xf32>,
      %add3A_844 = arith.constant 16 : i32
      %add3A_845 = arith.addi %mul3A_83, %add3A_844 : i32
      %get3A_846 = arith.index_cast %add3A_845 : i32 to index
      %get3A_847 = tpu.vector_load %arg7[%get3A_846] {strides = array<i32>} : memref<16384xf32, #tpu.memory_space<vmem>>, vector<16xf32>,
      %mul3A_848 = arith.mulf %get3A_847, %mul3A_568 : vector<16xf32>
      %add3A_849 = arith.constant 16 : i32
      %add3A_850 = arith.addi %mul3A_83, %add3A_849 : i32
      %swap3A_851 = arith.index_cast %add3A_850 : i32 to index
      %swap3A_852 = tpu.vector_load %arg7[%swap3A_851] {strides = array<i32>} : memref<16384xf32, #tpu.memory_space<vmem>>, vector<16xf32>,
      tpu.vector_store %arg7[%swap3A_851], %mul3A_848 {strides = array<i32>} : memref<16384xf32, #tpu.memory_space<vmem>>, vector<16xf32>,
      %add3A_853 = arith.constant 16 : i32
      %add3A_854 = arith.addi %mul3A_89, %add3A_853 : i32
      %get3A_855 = arith.index_cast %add3A_854 : i32 to index
      %get3A_856 = tpu.vector_load %arg7[%get3A_855] {strides = array<i32>} : memref<16384xf32, #tpu.memory_space<vmem>>, vector<16xf32>,
      %mul3A_857 = arith.mulf %get3A_856, %mul3A_648 : vector<16xf32>
      %add3A_858 = arith.constant 16 : i32
      %add3A_859 = arith.addi %mul3A_89, %add3A_858 : i32
      %swap3A_860 = arith.index_cast %add3A_859 : i32 to index
      %swap3A_861 = tpu.vector_load %arg7[%swap3A_860] {strides = array<i32>} : memref<16384xf32, #tpu.memory_space<vmem>>, vector<16xf32>,
      tpu.vector_store %arg7[%swap3A_860], %mul3A_857 {strides = array<i32>} : memref<16384xf32, #tpu.memory_space<vmem>>, vector<16xf32>,
      %add3A_862 = arith.constant 16 : i32
      %add3A_863 = arith.addi %mul3A_95, %add3A_862 : i32
      %get3A_864 = arith.index_cast %add3A_863 : i32 to index
      %get3A_865 = tpu.vector_load %arg7[%get3A_864] {strides = array<i32>} : memref<16384xf32, #tpu.memory_space<vmem>>, vector<16xf32>,
      %mul3A_866 = arith.mulf %get3A_865, %mul3A_728 : vector<16xf32>
      %add3A_867 = arith.constant 16 : i32
      %add3A_868 = arith.addi %mul3A_95, %add3A_867 : i32
      %swap3A_869 = arith.index_cast %add3A_868 : i32 to index
      %swap3A_870 = tpu.vector_load %arg7[%swap3A_869] {strides = array<i32>} : memref<16384xf32, #tpu.memory_space<vmem>>, vector<16xf32>,
      tpu.vector_store %arg7[%swap3A_869], %mul3A_866 {strides = array<i32>} : memref<16384xf32, #tpu.memory_space<vmem>>, vector<16xf32>,
      %add3A_871 = arith.constant 16 : i32
      %add3A_872 = arith.addi %mul3A_101, %add3A_871 : i32
      %get3A_873 = arith.index_cast %add3A_872 : i32 to index
      %get3A_874 = tpu.vector_load %arg7[%get3A_873] {strides = array<i32>} : memref<16384xf32, #tpu.memory_space<vmem>>, vector<16xf32>,
      %mul3A_875 = arith.mulf %get3A_874, %mul3A_808 : vector<16xf32>
      %add3A_876 = arith.constant 16 : i32
      %add3A_877 = arith.addi %mul3A_101, %add3A_876 : i32
      %swap3A_878 = arith.index_cast %add3A_877 : i32 to index
      %swap3A_879 = tpu.vector_load %arg7[%swap3A_878] {strides = array<i32>} : memref<16384xf32, #tpu.memory_space<vmem>>, vector<16xf32>,
      tpu.vector_store %arg7[%swap3A_878], %mul3A_875 {strides = array<i32>} : memref<16384xf32, #tpu.memory_space<vmem>>, vector<16xf32>,
      %add3A_880 = arith.constant 32 : i32
      %add3A_881 = arith.addi %mul3A_83, %add3A_880 : i32
      %get3A_882 = arith.index_cast %add3A_881 : i32 to index
      %get3A_883 = tpu.vector_load %arg7[%get3A_882] {strides = array<i32>} : memref<16384xf32, #tpu.memory_space<vmem>>, vector<16xf32>,
      %mul3A_884 = arith.mulf %get3A_883, %mul3A_568 : vector<16xf32>
      %add3A_885 = arith.constant 32 : i32
      %add3A_886 = arith.addi %mul3A_83, %add3A_885 : i32
      %swap3A_887 = arith.index_cast %add3A_886 : i32 to index
      %swap3A_888 = tpu.vector_load %arg7[%swap3A_887] {strides = array<i32>} : memref<16384xf32, #tpu.memory_space<vmem>>, vector<16xf32>,
      tpu.vector_store %arg7[%swap3A_887], %mul3A_884 {strides = array<i32>} : memref<16384xf32, #tpu.memory_space<vmem>>, vector<16xf32>,
      %add3A_889 = arith.constant 32 : i32
      %add3A_890 = arith.addi %mul3A_89, %add3A_889 : i32
      %get3A_891 = arith.index_cast %add3A_890 : i32 to index
      %get3A_892 = tpu.vector_load %arg7[%get3A_891] {strides = array<i32>} : memref<16384xf32, #tpu.memory_space<vmem>>, vector<16xf32>,
      %mul3A_893 = arith.mulf %get3A_892, %mul3A_648 : vector<16xf32>
      %add3A_894 = arith.constant 32 : i32
      %add3A_895 = arith.addi %mul3A_89, %add3A_894 : i32
      %swap3A_896 = arith.index_cast %add3A_895 : i32 to index
      %swap3A_897 = tpu.vector_load %arg7[%swap3A_896] {strides = array<i32>} : memref<16384xf32, #tpu.memory_space<vmem>>, vector<16xf32>,
      tpu.vector_store %arg7[%swap3A_896], %mul3A_893 {strides = array<i32>} : memref<16384xf32, #tpu.memory_space<vmem>>, vector<16xf32>,
      %add3A_898 = arith.constant 32 : i32
      %add3A_899 = arith.addi %mul3A_95, %add3A_898 : i32
      %get3A_900 = arith.index_cast %add3A_899 : i32 to index
      %get3A_901 = tpu.vector_load %arg7[%get3A_900] {strides = array<i32>} : memref<16384xf32, #tpu.memory_space<vmem>>, vector<16xf32>,
      %mul3A_902 = arith.mulf %get3A_901, %mul3A_728 : vector<16xf32>
      %add3A_903 = arith.constant 32 : i32
      %add3A_904 = arith.addi %mul3A_95, %add3A_903 : i32
      %swap3A_905 = arith.index_cast %add3A_904 : i32 to index
      %swap3A_906 = tpu.vector_load %arg7[%swap3A_905] {strides = array<i32>} : memref<16384xf32, #tpu.memory_space<vmem>>, vector<16xf32>,
      tpu.vector_store %arg7[%swap3A_905], %mul3A_902 {strides = array<i32>} : memref<16384xf32, #tpu.memory_space<vmem>>, vector<16xf32>,
      %add3A_907 = arith.constant 32 : i32
      %add3A_908 = arith.addi %mul3A_101, %add3A_907 : i32
      %get3A_909 = arith.index_cast %add3A_908 : i32 to index
      %get3A_910 = tpu.vector_load %arg7[%get3A_909] {strides = array<i32>} : memref<16384xf32, #tpu.memory_space<vmem>>, vector<16xf32>,
      %mul3A_911 = arith.mulf %get3A_910, %mul3A_808 : vector<16xf32>
      %add3A_912 = arith.constant 32 : i32
      %add3A_913 = arith.addi %mul3A_101, %add3A_912 : i32
      %swap3A_914 = arith.index_cast %add3A_913 : i32 to index
      %swap3A_915 = tpu.vector_load %arg7[%swap3A_914] {strides = array<i32>} : memref<16384xf32, #tpu.memory_space<vmem>>, vector<16xf32>,
      tpu.vector_store %arg7[%swap3A_914], %mul3A_911 {strides = array<i32>} : memref<16384xf32, #tpu.memory_space<vmem>>, vector<16xf32>,
      %add3A_916 = arith.constant 48 : i32
      %add3A_917 = arith.addi %mul3A_83, %add3A_916 : i32
      %get3A_918 = arith.index_cast %add3A_917 : i32 to index
      %get3A_919 = tpu.vector_load %arg7[%get3A_918] {strides = array<i32>} : memref<16384xf32, #tpu.memory_space<vmem>>, vector<16xf32>,
      %mul3A_920 = arith.mulf %get3A_919, %mul3A_568 : vector<16xf32>
      %add3A_921 = arith.constant 48 : i32
      %add3A_922 = arith.addi %mul3A_83, %add3A_921 : i32
      %swap3A_923 = arith.index_cast %add3A_922 : i32 to index
      %swap3A_924 = tpu.vector_load %arg7[%swap3A_923] {strides = array<i32>} : memref<16384xf32, #tpu.memory_space<vmem>>, vector<16xf32>,
      tpu.vector_store %arg7[%swap3A_923], %mul3A_920 {strides = array<i32>} : memref<16384xf32, #tpu.memory_space<vmem>>, vector<16xf32>,
      %add3A_925 = arith.constant 48 : i32
      %add3A_926 = arith.addi %mul3A_89, %add3A_925 : i32
      %get3A_927 = arith.index_cast %add3A_926 : i32 to index
      %get3A_928 = tpu.vector_load %arg7[%get3A_927] {strides = array<i32>} : memref<16384xf32, #tpu.memory_space<vmem>>, vector<16xf32>,
      %mul3A_929 = arith.mulf %get3A_928, %mul3A_648 : vector<16xf32>
      %add3A_930 = arith.constant 48 : i32
      %add3A_931 = arith.addi %mul3A_89, %add3A_930 : i32
      %swap3A_932 = arith.index_cast %add3A_931 : i32 to index
      %swap3A_933 = tpu.vector_load %arg7[%swap3A_932] {strides = array<i32>} : memref<16384xf32, #tpu.memory_space<vmem>>, vector<16xf32>,
      tpu.vector_store %arg7[%swap3A_932], %mul3A_929 {strides = array<i32>} : memref<16384xf32, #tpu.memory_space<vmem>>, vector<16xf32>,
      %add3A_934 = arith.constant 48 : i32
      %add3A_935 = arith.addi %mul3A_95, %add3A_934 : i32
      %get3A_936 = arith.index_cast %add3A_935 : i32 to index
      %get3A_937 = tpu.vector_load %arg7[%get3A_936] {strides = array<i32>} : memref<16384xf32, #tpu.memory_space<vmem>>, vector<16xf32>,
      %mul3A_938 = arith.mulf %get3A_937, %mul3A_728 : vector<16xf32>
      %add3A_939 = arith.constant 48 : i32
      %add3A_940 = arith.addi %mul3A_95, %add3A_939 : i32
      %swap3A_941 = arith.index_cast %add3A_940 : i32 to index
      %swap3A_942 = tpu.vector_load %arg7[%swap3A_941] {strides = array<i32>} : memref<16384xf32, #tpu.memory_space<vmem>>, vector<16xf32>,
      tpu.vector_store %arg7[%swap3A_941], %mul3A_938 {strides = array<i32>} : memref<16384xf32, #tpu.memory_space<vmem>>, vector<16xf32>,
      %add3A_943 = arith.constant 48 : i32
      %add3A_944 = arith.addi %mul3A_101, %add3A_943 : i32
      %get3A_945 = arith.index_cast %add3A_944 : i32 to index
      %get3A_946 = tpu.vector_load %arg7[%get3A_945] {strides = array<i32>} : memref<16384xf32, #tpu.memory_space<vmem>>, vector<16xf32>,
      %mul3A_947 = arith.mulf %get3A_946, %mul3A_808 : vector<16xf32>
      %add3A_948 = arith.constant 48 : i32
      %add3A_949 = arith.addi %mul3A_101, %add3A_948 : i32
      %swap3A_950 = arith.index_cast %add3A_949 : i32 to index
      %swap3A_951 = tpu.vector_load %arg7[%swap3A_950] {strides = array<i32>} : memref<16384xf32, #tpu.memory_space<vmem>>, vector<16xf32>,
      tpu.vector_store %arg7[%swap3A_950], %mul3A_947 {strides = array<i32>} : memref<16384xf32, #tpu.memory_space<vmem>>, vector<16xf32>,
      %add3A_952 = arith.constant 64 : i32
      %add3A_953 = arith.addi %mul3A_83, %add3A_952 : i32
      %get3A_954 = arith.index_cast %add3A_953 : i32 to index
      %get3A_955 = tpu.vector_load %arg7[%get3A_954] {strides = array<i32>} : memref<16384xf32, #tpu.memory_space<vmem>>, vector<16xf32>,
      %mul3A_956 = arith.mulf %get3A_955, %mul3A_568 : vector<16xf32>
      %add3A_957 = arith.constant 64 : i32
      %add3A_958 = arith.addi %mul3A_83, %add3A_957 : i32
      %swap3A_959 = arith.index_cast %add3A_958 : i32 to index
      %swap3A_960 = tpu.vector_load %arg7[%swap3A_959] {strides = array<i32>} : memref<16384xf32, #tpu.memory_space<vmem>>, vector<16xf32>,
      tpu.vector_store %arg7[%swap3A_959], %mul3A_956 {strides = array<i32>} : memref<16384xf32, #tpu.memory_space<vmem>>, vector<16xf32>,
      %add3A_961 = arith.constant 64 : i32
      %add3A_962 = arith.addi %mul3A_89, %add3A_961 : i32
      %get3A_963 = arith.index_cast %add3A_962 : i32 to index
      %get3A_964 = tpu.vector_load %arg7[%get3A_963] {strides = array<i32>} : memref<16384xf32, #tpu.memory_space<vmem>>, vector<16xf32>,
      %mul3A_965 = arith.mulf %get3A_964, %mul3A_648 : vector<16xf32>
      %add3A_966 = arith.constant 64 : i32
      %add3A_967 = arith.addi %mul3A_89, %add3A_966 : i32
      %swap3A_968 = arith.index_cast %add3A_967 : i32 to index
      %swap3A_969 = tpu.vector_load %arg7[%swap3A_968] {strides = array<i32>} : memref<16384xf32, #tpu.memory_space<vmem>>, vector<16xf32>,
      tpu.vector_store %arg7[%swap3A_968], %mul3A_965 {strides = array<i32>} : memref<16384xf32, #tpu.memory_space<vmem>>, vector<16xf32>,
      %add3A_970 = arith.constant 64 : i32
      %add3A_971 = arith.addi %mul3A_95, %add3A_970 : i32
      %get3A_972 = arith.index_cast %add3A_971 : i32 to index
      %get3A_973 = tpu.vector_load %arg7[%get3A_972] {strides = array<i32>} : memref<16384xf32, #tpu.memory_space<vmem>>, vector<16xf32>,
      %mul3A_974 = arith.mulf %get3A_973, %mul3A_728 : vector<16xf32>
      %add3A_975 = arith.constant 64 : i32
      %add3A_976 = arith.addi %mul3A_95, %add3A_975 : i32
      %swap3A_977 = arith.index_cast %add3A_976 : i32 to index
      %swap3A_978 = tpu.vector_load %arg7[%swap3A_977] {strides = array<i32>} : memref<16384xf32, #tpu.memory_space<vmem>>, vector<16xf32>,
      tpu.vector_store %arg7[%swap3A_977], %mul3A_974 {strides = array<i32>} : memref<16384xf32, #tpu.memory_space<vmem>>, vector<16xf32>,
      %add3A_979 = arith.constant 64 : i32
      %add3A_980 = arith.addi %mul3A_101, %add3A_979 : i32
      %get3A_981 = arith.index_cast %add3A_980 : i32 to index
      %get3A_982 = tpu.vector_load %arg7[%get3A_981] {strides = array<i32>} : memref<16384xf32, #tpu.memory_space<vmem>>, vector<16xf32>,
      %mul3A_983 = arith.mulf %get3A_982, %mul3A_808 : vector<16xf32>
      %add3A_984 = arith.constant 64 : i32
      %add3A_985 = arith.addi %mul3A_101, %add3A_984 : i32
      %swap3A_986 = arith.index_cast %add3A_985 : i32 to index
      %swap3A_987 = tpu.vector_load %arg7[%swap3A_986] {strides = array<i32>} : memref<16384xf32, #tpu.memory_space<vmem>>, vector<16xf32>,
      tpu.vector_store %arg7[%swap3A_986], %mul3A_983 {strides = array<i32>} : memref<16384xf32, #tpu.memory_space<vmem>>, vector<16xf32>,
      %add3A_988 = arith.constant 80 : i32
      %add3A_989 = arith.addi %mul3A_83, %add3A_988 : i32
      %get3A_990 = arith.index_cast %add3A_989 : i32 to index
      %get3A_991 = tpu.vector_load %arg7[%get3A_990] {strides = array<i32>} : memref<16384xf32, #tpu.memory_space<vmem>>, vector<16xf32>,
      %mul3A_992 = arith.mulf %get3A_991, %mul3A_568 : vector<16xf32>
      %add3A_993 = arith.constant 80 : i32
      %add3A_994 = arith.addi %mul3A_83, %add3A_993 : i32
      %swap3A_995 = arith.index_cast %add3A_994 : i32 to index
      %swap3A_996 = tpu.vector_load %arg7[%swap3A_995] {strides = array<i32>} : memref<16384xf32, #tpu.memory_space<vmem>>, vector<16xf32>,
      tpu.vector_store %arg7[%swap3A_995], %mul3A_992 {strides = array<i32>} : memref<16384xf32, #tpu.memory_space<vmem>>, vector<16xf32>,
      %add3A_997 = arith.constant 80 : i32
      %add3A_998 = arith.addi %mul3A_89, %add3A_997 : i32
      %get3A_999 = arith.index_cast %add3A_998 : i32 to index
      %get3A_1000 = tpu.vector_load %arg7[%get3A_999] {strides = array<i32>} : memref<16384xf32, #tpu.memory_space<vmem>>, vector<16xf32>,
      %mul3A_1001 = arith.mulf %get3A_1000, %mul3A_648 : vector<16xf32>
      %add3A_1002 = arith.constant 80 : i32
      %add3A_1003 = arith.addi %mul3A_89, %add3A_1002 : i32
      %swap3A_1004 = arith.index_cast %add3A_1003 : i32 to index
      %swap3A_1005 = tpu.vector_load %arg7[%swap3A_1004] {strides = array<i32>} : memref<16384xf32, #tpu.memory_space<vmem>>, vector<16xf32>,
      tpu.vector_store %arg7[%swap3A_1004], %mul3A_1001 {strides = array<i32>} : memref<16384xf32, #tpu.memory_space<vmem>>, vector<16xf32>,
      %add3A_1006 = arith.constant 80 : i32
      %add3A_1007 = arith.addi %mul3A_95, %add3A_1006 : i32
      %get3A_1008 = arith.index_cast %add3A_1007 : i32 to index
      %get3A_1009 = tpu.vector_load %arg7[%get3A_1008] {strides = array<i32>} : memref<16384xf32, #tpu.memory_space<vmem>>, vector<16xf32>,
      %mul3A_1010 = arith.mulf %get3A_1009, %mul3A_728 : vector<16xf32>
      %add3A_1011 = arith.constant 80 : i32
      %add3A_1012 = arith.addi %mul3A_95, %add3A_1011 : i32
      %swap3A_1013 = arith.index_cast %add3A_1012 : i32 to index
      %swap3A_1014 = tpu.vector_load %arg7[%swap3A_1013] {strides = array<i32>} : memref<16384xf32, #tpu.memory_space<vmem>>, vector<16xf32>,
      tpu.vector_store %arg7[%swap3A_1013], %mul3A_1010 {strides = array<i32>} : memref<16384xf32, #tpu.memory_space<vmem>>, vector<16xf32>,
      %add3A_1015 = arith.constant 80 : i32
      %add3A_1016 = arith.addi %mul3A_101, %add3A_1015 : i32
      %get3A_1017 = arith.index_cast %add3A_1016 : i32 to index
      %get3A_1018 = tpu.vector_load %arg7[%get3A_1017] {strides = array<i32>} : memref<16384xf32, #tpu.memory_space<vmem>>, vector<16xf32>,
      %mul3A_1019 = arith.mulf %get3A_1018, %mul3A_808 : vector<16xf32>
      %add3A_1020 = arith.constant 80 : i32
      %add3A_1021 = arith.addi %mul3A_101, %add3A_1020 : i32
      %swap3A_1022 = arith.index_cast %add3A_1021 : i32 to index
      %swap3A_1023 = tpu.vector_load %arg7[%swap3A_1022] {strides = array<i32>} : memref<16384xf32, #tpu.memory_space<vmem>>, vector<16xf32>,
      tpu.vector_store %arg7[%swap3A_1022], %mul3A_1019 {strides = array<i32>} : memref<16384xf32, #tpu.memory_space<vmem>>, vector<16xf32>,
      %add3A_1024 = arith.constant 96 : i32
      %add3A_1025 = arith.addi %mul3A_83, %add3A_1024 : i32
      %get3A_1026 = arith.index_cast %add3A_1025 : i32 to index
      %get3A_1027 = tpu.vector_load %arg7[%get3A_1026] {strides = array<i32>} : memref<16384xf32, #tpu.memory_space<vmem>>, vector<16xf32>,
      %mul3A_1028 = arith.mulf %get3A_1027, %mul3A_568 : vector<16xf32>
      %add3A_1029 = arith.constant 96 : i32
      %add3A_1030 = arith.addi %mul3A_83, %add3A_1029 : i32
      %swap3A_1031 = arith.index_cast %add3A_1030 : i32 to index
      %swap3A_1032 = tpu.vector_load %arg7[%swap3A_1031] {strides = array<i32>} : memref<16384xf32, #tpu.memory_space<vmem>>, vector<16xf32>,
      tpu.vector_store %arg7[%swap3A_1031], %mul3A_1028 {strides = array<i32>} : memref<16384xf32, #tpu.memory_space<vmem>>, vector<16xf32>,
      %add3A_1033 = arith.constant 96 : i32
      %add3A_1034 = arith.addi %mul3A_89, %add3A_1033 : i32
      %get3A_1035 = arith.index_cast %add3A_1034 : i32 to index
      %get3A_1036 = tpu.vector_load %arg7[%get3A_1035] {strides = array<i32>} : memref<16384xf32, #tpu.memory_space<vmem>>, vector<16xf32>,
      %mul3A_1037 = arith.mulf %get3A_1036, %mul3A_648 : vector<16xf32>
      %add3A_1038 = arith.constant 96 : i32
      %add3A_1039 = arith.addi %mul3A_89, %add3A_1038 : i32
      %swap3A_1040 = arith.index_cast %add3A_1039 : i32 to index
      %swap3A_1041 = tpu.vector_load %arg7[%swap3A_1040] {strides = array<i32>} : memref<16384xf32, #tpu.memory_space<vmem>>, vector<16xf32>,
      tpu.vector_store %arg7[%swap3A_1040], %mul3A_1037 {strides = array<i32>} : memref<16384xf32, #tpu.memory_space<vmem>>, vector<16xf32>,
      %add3A_1042 = arith.constant 96 : i32
      %add3A_1043 = arith.addi %mul3A_95, %add3A_1042 : i32
      %get3A_1044 = arith.index_cast %add3A_1043 : i32 to index
      %get3A_1045 = tpu.vector_load %arg7[%get3A_1044] {strides = array<i32>} : memref<16384xf32, #tpu.memory_space<vmem>>, vector<16xf32>,
      %mul3A_1046 = arith.mulf %get3A_1045, %mul3A_728 : vector<16xf32>
      %add3A_1047 = arith.constant 96 : i32
      %add3A_1048 = arith.addi %mul3A_95, %add3A_1047 : i32
      %swap3A_1049 = arith.index_cast %add3A_1048 : i32 to index
      %swap3A_1050 = tpu.vector_load %arg7[%swap3A_1049] {strides = array<i32>} : memref<16384xf32, #tpu.memory_space<vmem>>, vector<16xf32>,
      tpu.vector_store %arg7[%swap3A_1049], %mul3A_1046 {strides = array<i32>} : memref<16384xf32, #tpu.memory_space<vmem>>, vector<16xf32>,
      %add3A_1051 = arith.constant 96 : i32
      %add3A_1052 = arith.addi %mul3A_101, %add3A_1051 : i32
      %get3A_1053 = arith.index_cast %add3A_1052 : i32 to index
      %get3A_1054 = tpu.vector_load %arg7[%get3A_1053] {strides = array<i32>} : memref<16384xf32, #tpu.memory_space<vmem>>, vector<16xf32>,
      %mul3A_1055 = arith.mulf %get3A_1054, %mul3A_808 : vector<16xf32>
      %add3A_1056 = arith.constant 96 : i32
      %add3A_1057 = arith.addi %mul3A_101, %add3A_1056 : i32
      %swap3A_1058 = arith.index_cast %add3A_1057 : i32 to index
      %swap3A_1059 = tpu.vector_load %arg7[%swap3A_1058] {strides = array<i32>} : memref<16384xf32, #tpu.memory_space<vmem>>, vector<16xf32>,
      tpu.vector_store %arg7[%swap3A_1058], %mul3A_1055 {strides = array<i32>} : memref<16384xf32, #tpu.memory_space<vmem>>, vector<16xf32>,
      %add3A_1060 = arith.constant 112 : i32
      %add3A_1061 = arith.addi %mul3A_83, %add3A_1060 : i32
      %get3A_1062 = arith.index_cast %add3A_1061 : i32 to index
      %get3A_1063 = tpu.vector_load %arg7[%get3A_1062] {strides = array<i32>} : memref<16384xf32, #tpu.memory_space<vmem>>, vector<16xf32>,
      %mul3A_1064 = arith.mulf %get3A_1063, %mul3A_568 : vector<16xf32>
      %add3A_1065 = arith.constant 112 : i32
      %add3A_1066 = arith.addi %mul3A_83, %add3A_1065 : i32
      %swap3A_1067 = arith.index_cast %add3A_1066 : i32 to index
      %swap3A_1068 = tpu.vector_load %arg7[%swap3A_1067] {strides = array<i32>} : memref<16384xf32, #tpu.memory_space<vmem>>, vector<16xf32>,
      tpu.vector_store %arg7[%swap3A_1067], %mul3A_1064 {strides = array<i32>} : memref<16384xf32, #tpu.memory_space<vmem>>, vector<16xf32>,
      %add3A_1069 = arith.constant 112 : i32
      %add3A_1070 = arith.addi %mul3A_89, %add3A_1069 : i32
      %get3A_1071 = arith.index_cast %add3A_1070 : i32 to index
      %get3A_1072 = tpu.vector_load %arg7[%get3A_1071] {strides = array<i32>} : memref<16384xf32, #tpu.memory_space<vmem>>, vector<16xf32>,
      %mul3A_1073 = arith.mulf %get3A_1072, %mul3A_648 : vector<16xf32>
      %add3A_1074 = arith.constant 112 : i32
      %add3A_1075 = arith.addi %mul3A_89, %add3A_1074 : i32
      %swap3A_1076 = arith.index_cast %add3A_1075 : i32 to index
      %swap3A_1077 = tpu.vector_load %arg7[%swap3A_1076] {strides = array<i32>} : memref<16384xf32, #tpu.memory_space<vmem>>, vector<16xf32>,
      tpu.vector_store %arg7[%swap3A_1076], %mul3A_1073 {strides = array<i32>} : memref<16384xf32, #tpu.memory_space<vmem>>, vector<16xf32>,
      %add3A_1078 = arith.constant 112 : i32
      %add3A_1079 = arith.addi %mul3A_95, %add3A_1078 : i32
      %get3A_1080 = arith.index_cast %add3A_1079 : i32 to index
      %get3A_1081 = tpu.vector_load %arg7[%get3A_1080] {strides = array<i32>} : memref<16384xf32, #tpu.memory_space<vmem>>, vector<16xf32>,
      %mul3A_1082 = arith.mulf %get3A_1081, %mul3A_728 : vector<16xf32>
      %add3A_1083 = arith.constant 112 : i32
      %add3A_1084 = arith.addi %mul3A_95, %add3A_1083 : i32
      %swap3A_1085 = arith.index_cast %add3A_1084 : i32 to index
      %swap3A_1086 = tpu.vector_load %arg7[%swap3A_1085] {strides = array<i32>} : memref<16384xf32, #tpu.memory_space<vmem>>, vector<16xf32>,
      tpu.vector_store %arg7[%swap3A_1085], %mul3A_1082 {strides = array<i32>} : memref<16384xf32, #tpu.memory_space<vmem>>, vector<16xf32>,
      %add3A_1087 = arith.constant 112 : i32
      %add3A_1088 = arith.addi %mul3A_101, %add3A_1087 : i32
      %get3A_1089 = arith.index_cast %add3A_1088 : i32 to index
      %get3A_1090 = tpu.vector_load %arg7[%get3A_1089] {strides = array<i32>} : memref<16384xf32, #tpu.memory_space<vmem>>, vector<16xf32>,
      %mul3A_1091 = arith.mulf %get3A_1090, %mul3A_808 : vector<16xf32>
      %add3A_1092 = arith.constant 112 : i32
      %add3A_1093 = arith.addi %mul3A_101, %add3A_1092 : i32
      %swap3A_1094 = arith.index_cast %add3A_1093 : i32 to index
      %swap3A_1095 = tpu.vector_load %arg7[%swap3A_1094] {strides = array<i32>} : memref<16384xf32, #tpu.memory_space<vmem>>, vector<16xf32>,
      tpu.vector_store %arg7[%swap3A_1094], %mul3A_1091 {strides = array<i32>} : memref<16384xf32, #tpu.memory_space<vmem>>, vector<16xf32>,
      %add3A_1096 = arith.constant 128 : i32
      %add3A_1097 = arith.addi %mul3A_83, %add3A_1096 : i32
      %get3A_1098 = arith.index_cast %add3A_1097 : i32 to index
      %get3A_1099 = tpu.vector_load %arg7[%get3A_1098] {strides = array<i32>} : memref<16384xf32, #tpu.memory_space<vmem>>, vector<16xf32>,
      %mul3A_1100 = arith.mulf %get3A_1099, %mul3A_568 : vector<16xf32>
      %add3A_1101 = arith.constant 128 : i32
      %add3A_1102 = arith.addi %mul3A_83, %add3A_1101 : i32
      %swap3A_1103 = arith.index_cast %add3A_1102 : i32 to index
      %swap3A_1104 = tpu.vector_load %arg7[%swap3A_1103] {strides = array<i32>} : memref<16384xf32, #tpu.memory_space<vmem>>, vector<16xf32>,
      tpu.vector_store %arg7[%swap3A_1103], %mul3A_1100 {strides = array<i32>} : memref<16384xf32, #tpu.memory_space<vmem>>, vector<16xf32>,
      %add3A_1105 = arith.constant 128 : i32
      %add3A_1106 = arith.addi %mul3A_89, %add3A_1105 : i32
      %get3A_1107 = arith.index_cast %add3A_1106 : i32 to index
      %get3A_1108 = tpu.vector_load %arg7[%get3A_1107] {strides = array<i32>} : memref<16384xf32, #tpu.memory_space<vmem>>, vector<16xf32>,
      %mul3A_1109 = arith.mulf %get3A_1108, %mul3A_648 : vector<16xf32>
      %add3A_1110 = arith.constant 128 : i32
      %add3A_1111 = arith.addi %mul3A_89, %add3A_1110 : i32
      %swap3A_1112 = arith.index_cast %add3A_1111 : i32 to index
      %swap3A_1113 = tpu.vector_load %arg7[%swap3A_1112] {strides = array<i32>} : memref<16384xf32, #tpu.memory_space<vmem>>, vector<16xf32>,
      tpu.vector_store %arg7[%swap3A_1112], %mul3A_1109 {strides = array<i32>} : memref<16384xf32, #tpu.memory_space<vmem>>, vector<16xf32>,
      %add3A_1114 = arith.constant 128 : i32
      %add3A_1115 = arith.addi %mul3A_95, %add3A_1114 : i32
      %get3A_1116 = arith.index_cast %add3A_1115 : i32 to index
      %get3A_1117 = tpu.vector_load %arg7[%get3A_1116] {strides = array<i32>} : memref<16384xf32, #tpu.memory_space<vmem>>, vector<16xf32>,
      %mul3A_1118 = arith.mulf %get3A_1117, %mul3A_728 : vector<16xf32>
      %add3A_1119 = arith.constant 128 : i32
      %add3A_1120 = arith.addi %mul3A_95, %add3A_1119 : i32
      %swap3A_1121 = arith.index_cast %add3A_1120 : i32 to index
      %swap3A_1122 = tpu.vector_load %arg7[%swap3A_1121] {strides = array<i32>} : memref<16384xf32, #tpu.memory_space<vmem>>, vector<16xf32>,
      tpu.vector_store %arg7[%swap3A_1121], %mul3A_1118 {strides = array<i32>} : memref<16384xf32, #tpu.memory_space<vmem>>, vector<16xf32>,
      %add3A_1123 = arith.constant 128 : i32
      %add3A_1124 = arith.addi %mul3A_101, %add3A_1123 : i32
      %get3A_1125 = arith.index_cast %add3A_1124 : i32 to index
      %get3A_1126 = tpu.vector_load %arg7[%get3A_1125] {strides = array<i32>} : memref<16384xf32, #tpu.memory_space<vmem>>, vector<16xf32>,
      %mul3A_1127 = arith.mulf %get3A_1126, %mul3A_808 : vector<16xf32>
      %add3A_1128 = arith.constant 128 : i32
      %add3A_1129 = arith.addi %mul3A_101, %add3A_1128 : i32
      %swap3A_1130 = arith.index_cast %add3A_1129 : i32 to index
      %swap3A_1131 = tpu.vector_load %arg7[%swap3A_1130] {strides = array<i32>} : memref<16384xf32, #tpu.memory_space<vmem>>, vector<16xf32>,
      tpu.vector_store %arg7[%swap3A_1130], %mul3A_1127 {strides = array<i32>} : memref<16384xf32, #tpu.memory_space<vmem>>, vector<16xf32>,
      %add3A_1132 = arith.constant 144 : i32
      %add3A_1133 = arith.addi %mul3A_83, %add3A_1132 : i32
      %get3A_1134 = arith.index_cast %add3A_1133 : i32 to index
      %get3A_1135 = tpu.vector_load %arg7[%get3A_1134] {strides = array<i32>} : memref<16384xf32, #tpu.memory_space<vmem>>, vector<16xf32>,
      %mul3A_1136 = arith.mulf %get3A_1135, %mul3A_568 : vector<16xf32>
      %add3A_1137 = arith.constant 144 : i32
      %add3A_1138 = arith.addi %mul3A_83, %add3A_1137 : i32
      %swap3A_1139 = arith.index_cast %add3A_1138 : i32 to index
      %swap3A_1140 = tpu.vector_load %arg7[%swap3A_1139] {strides = array<i32>} : memref<16384xf32, #tpu.memory_space<vmem>>, vector<16xf32>,
      tpu.vector_store %arg7[%swap3A_1139], %mul3A_1136 {strides = array<i32>} : memref<16384xf32, #tpu.memory_space<vmem>>, vector<16xf32>,
      %add3A_1141 = arith.constant 144 : i32
      %add3A_1142 = arith.addi %mul3A_89, %add3A_1141 : i32
      %get3A_1143 = arith.index_cast %add3A_1142 : i32 to index
      %get3A_1144 = tpu.vector_load %arg7[%get3A_1143] {strides = array<i32>} : memref<16384xf32, #tpu.memory_space<vmem>>, vector<16xf32>,
      %mul3A_1145 = arith.mulf %get3A_1144, %mul3A_648 : vector<16xf32>
      %add3A_1146 = arith.constant 144 : i32
      %add3A_1147 = arith.addi %mul3A_89, %add3A_1146 : i32
      %swap3A_1148 = arith.index_cast %add3A_1147 : i32 to index
      %swap3A_1149 = tpu.vector_load %arg7[%swap3A_1148] {strides = array<i32>} : memref<16384xf32, #tpu.memory_space<vmem>>, vector<16xf32>,
      tpu.vector_store %arg7[%swap3A_1148], %mul3A_1145 {strides = array<i32>} : memref<16384xf32, #tpu.memory_space<vmem>>, vector<16xf32>,
      %add3A_1150 = arith.constant 144 : i32
      %add3A_1151 = arith.addi %mul3A_95, %add3A_1150 : i32
      %get3A_1152 = arith.index_cast %add3A_1151 : i32 to index
      %get3A_1153 = tpu.vector_load %arg7[%get3A_1152] {strides = array<i32>} : memref<16384xf32, #tpu.memory_space<vmem>>, vector<16xf32>,
      %mul3A_1154 = arith.mulf %get3A_1153, %mul3A_728 : vector<16xf32>
      %add3A_1155 = arith.constant 144 : i32
      %add3A_1156 = arith.addi %mul3A_95, %add3A_1155 : i32
      %swap3A_1157 = arith.index_cast %add3A_1156 : i32 to index
      %swap3A_1158 = tpu.vector_load %arg7[%swap3A_1157] {strides = array<i32>} : memref<16384xf32, #tpu.memory_space<vmem>>, vector<16xf32>,
      tpu.vector_store %arg7[%swap3A_1157], %mul3A_1154 {strides = array<i32>} : memref<16384xf32, #tpu.memory_space<vmem>>, vector<16xf32>,
      %add3A_1159 = arith.constant 144 : i32
      %add3A_1160 = arith.addi %mul3A_101, %add3A_1159 : i32
      %get3A_1161 = arith.index_cast %add3A_1160 : i32 to index
      %get3A_1162 = tpu.vector_load %arg7[%get3A_1161] {strides = array<i32>} : memref<16384xf32, #tpu.memory_space<vmem>>, vector<16xf32>,
      %mul3A_1163 = arith.mulf %get3A_1162, %mul3A_808 : vector<16xf32>
      %add3A_1164 = arith.constant 144 : i32
      %add3A_1165 = arith.addi %mul3A_101, %add3A_1164 : i32
      %swap3A_1166 = arith.index_cast %add3A_1165 : i32 to index
      %swap3A_1167 = tpu.vector_load %arg7[%swap3A_1166] {strides = array<i32>} : memref<16384xf32, #tpu.memory_space<vmem>>, vector<16xf32>,
      tpu.vector_store %arg7[%swap3A_1166], %mul3A_1163 {strides = array<i32>} : memref<16384xf32, #tpu.memory_space<vmem>>, vector<16xf32>,
      %add3A_1168 = arith.constant 160 : i32
      %add3A_1169 = arith.addi %mul3A_83, %add3A_1168 : i32
      %get3A_1170 = arith.index_cast %add3A_1169 : i32 to index
      %get3A_1171 = tpu.vector_load %arg7[%get3A_1170] {strides = array<i32>} : memref<16384xf32, #tpu.memory_space<vmem>>, vector<16xf32>,
      %mul3A_1172 = arith.mulf %get3A_1171, %mul3A_568 : vector<16xf32>
      %add3A_1173 = arith.constant 160 : i32
      %add3A_1174 = arith.addi %mul3A_83, %add3A_1173 : i32
      %swap3A_1175 = arith.index_cast %add3A_1174 : i32 to index
      %swap3A_1176 = tpu.vector_load %arg7[%swap3A_1175] {strides = array<i32>} : memref<16384xf32, #tpu.memory_space<vmem>>, vector<16xf32>,
      tpu.vector_store %arg7[%swap3A_1175], %mul3A_1172 {strides = array<i32>} : memref<16384xf32, #tpu.memory_space<vmem>>, vector<16xf32>,
      %add3A_1177 = arith.constant 160 : i32
      %add3A_1178 = arith.addi %mul3A_89, %add3A_1177 : i32
      %get3A_1179 = arith.index_cast %add3A_1178 : i32 to index
      %get3A_1180 = tpu.vector_load %arg7[%get3A_1179] {strides = array<i32>} : memref<16384xf32, #tpu.memory_space<vmem>>, vector<16xf32>,
      %mul3A_1181 = arith.mulf %get3A_1180, %mul3A_648 : vector<16xf32>
      %add3A_1182 = arith.constant 160 : i32
      %add3A_1183 = arith.addi %mul3A_89, %add3A_1182 : i32
      %swap3A_1184 = arith.index_cast %add3A_1183 : i32 to index
      %swap3A_1185 = tpu.vector_load %arg7[%swap3A_1184] {strides = array<i32>} : memref<16384xf32, #tpu.memory_space<vmem>>, vector<16xf32>,
      tpu.vector_store %arg7[%swap3A_1184], %mul3A_1181 {strides = array<i32>} : memref<16384xf32, #tpu.memory_space<vmem>>, vector<16xf32>,
      %add3A_1186 = arith.constant 160 : i32
      %add3A_1187 = arith.addi %mul3A_95, %add3A_1186 : i32
      %get3A_1188 = arith.index_cast %add3A_1187 : i32 to index
      %get3A_1189 = tpu.vector_load %arg7[%get3A_1188] {strides = array<i32>} : memref<16384xf32, #tpu.memory_space<vmem>>, vector<16xf32>,
      %mul3A_1190 = arith.mulf %get3A_1189, %mul3A_728 : vector<16xf32>
      %add3A_1191 = arith.constant 160 : i32
      %add3A_1192 = arith.addi %mul3A_95, %add3A_1191 : i32
      %swap3A_1193 = arith.index_cast %add3A_1192 : i32 to index
      %swap3A_1194 = tpu.vector_load %arg7[%swap3A_1193] {strides = array<i32>} : memref<16384xf32, #tpu.memory_space<vmem>>, vector<16xf32>,
      tpu.vector_store %arg7[%swap3A_1193], %mul3A_1190 {strides = array<i32>} : memref<16384xf32, #tpu.memory_space<vmem>>, vector<16xf32>,
      %add3A_1195 = arith.constant 160 : i32
      %add3A_1196 = arith.addi %mul3A_101, %add3A_1195 : i32
      %get3A_1197 = arith.index_cast %add3A_1196 : i32 to index
      %get3A_1198 = tpu.vector_load %arg7[%get3A_1197] {strides = array<i32>} : memref<16384xf32, #tpu.memory_space<vmem>>, vector<16xf32>,
      %mul3A_1199 = arith.mulf %get3A_1198, %mul3A_808 : vector<16xf32>
      %add3A_1200 = arith.constant 160 : i32
      %add3A_1201 = arith.addi %mul3A_101, %add3A_1200 : i32
      %swap3A_1202 = arith.index_cast %add3A_1201 : i32 to index
      %swap3A_1203 = tpu.vector_load %arg7[%swap3A_1202] {strides = array<i32>} : memref<16384xf32, #tpu.memory_space<vmem>>, vector<16xf32>,
      tpu.vector_store %arg7[%swap3A_1202], %mul3A_1199 {strides = array<i32>} : memref<16384xf32, #tpu.memory_space<vmem>>, vector<16xf32>,
      %add3A_1204 = arith.constant 176 : i32
      %add3A_1205 = arith.addi %mul3A_83, %add3A_1204 : i32
      %get3A_1206 = arith.index_cast %add3A_1205 : i32 to index
      %get3A_1207 = tpu.vector_load %arg7[%get3A_1206] {strides = array<i32>} : memref<16384xf32, #tpu.memory_space<vmem>>, vector<16xf32>,
      %mul3A_1208 = arith.mulf %get3A_1207, %mul3A_568 : vector<16xf32>
      %add3A_1209 = arith.constant 176 : i32
      %add3A_1210 = arith.addi %mul3A_83, %add3A_1209 : i32
      %swap3A_1211 = arith.index_cast %add3A_1210 : i32 to index
      %swap3A_1212 = tpu.vector_load %arg7[%swap3A_1211] {strides = array<i32>} : memref<16384xf32, #tpu.memory_space<vmem>>, vector<16xf32>,
      tpu.vector_store %arg7[%swap3A_1211], %mul3A_1208 {strides = array<i32>} : memref<16384xf32, #tpu.memory_space<vmem>>, vector<16xf32>,
      %add3A_1213 = arith.constant 176 : i32
      %add3A_1214 = arith.addi %mul3A_89, %add3A_1213 : i32
      %get3A_1215 = arith.index_cast %add3A_1214 : i32 to index
      %get3A_1216 = tpu.vector_load %arg7[%get3A_1215] {strides = array<i32>} : memref<16384xf32, #tpu.memory_space<vmem>>, vector<16xf32>,
      %mul3A_1217 = arith.mulf %get3A_1216, %mul3A_648 : vector<16xf32>
      %add3A_1218 = arith.constant 176 : i32
      %add3A_1219 = arith.addi %mul3A_89, %add3A_1218 : i32
      %swap3A_1220 = arith.index_cast %add3A_1219 : i32 to index
      %swap3A_1221 = tpu.vector_load %arg7[%swap3A_1220] {strides = array<i32>} : memref<16384xf32, #tpu.memory_space<vmem>>, vector<16xf32>,
      tpu.vector_store %arg7[%swap3A_1220], %mul3A_1217 {strides = array<i32>} : memref<16384xf32, #tpu.memory_space<vmem>>, vector<16xf32>,
      %add3A_1222 = arith.constant 176 : i32
      %add3A_1223 = arith.addi %mul3A_95, %add3A_1222 : i32
      %get3A_1224 = arith.index_cast %add3A_1223 : i32 to index
      %get3A_1225 = tpu.vector_load %arg7[%get3A_1224] {strides = array<i32>} : memref<16384xf32, #tpu.memory_space<vmem>>, vector<16xf32>,
      %mul3A_1226 = arith.mulf %get3A_1225, %mul3A_728 : vector<16xf32>
      %add3A_1227 = arith.constant 176 : i32
      %add3A_1228 = arith.addi %mul3A_95, %add3A_1227 : i32
      %swap3A_1229 = arith.index_cast %add3A_1228 : i32 to index
      %swap3A_1230 = tpu.vector_load %arg7[%swap3A_1229] {strides = array<i32>} : memref<16384xf32, #tpu.memory_space<vmem>>, vector<16xf32>,
      tpu.vector_store %arg7[%swap3A_1229], %mul3A_1226 {strides = array<i32>} : memref<16384xf32, #tpu.memory_space<vmem>>, vector<16xf32>,
      %add3A_1231 = arith.constant 176 : i32
      %add3A_1232 = arith.addi %mul3A_101, %add3A_1231 : i32
      %get3A_1233 = arith.index_cast %add3A_1232 : i32 to index
      %get3A_1234 = tpu.vector_load %arg7[%get3A_1233] {strides = array<i32>} : memref<16384xf32, #tpu.memory_space<vmem>>, vector<16xf32>,
      %mul3A_1235 = arith.mulf %get3A_1234, %mul3A_808 : vector<16xf32>
      %add3A_1236 = arith.constant 176 : i32
      %add3A_1237 = arith.addi %mul3A_101, %add3A_1236 : i32
      %swap3A_1238 = arith.index_cast %add3A_1237 : i32 to index
      %swap3A_1239 = tpu.vector_load %arg7[%swap3A_1238] {strides = array<i32>} : memref<16384xf32, #tpu.memory_space<vmem>>, vector<16xf32>,
      tpu.vector_store %arg7[%swap3A_1238], %mul3A_1235 {strides = array<i32>} : memref<16384xf32, #tpu.memory_space<vmem>>, vector<16xf32>,
      %add3A_1240 = arith.constant 192 : i32
      %add3A_1241 = arith.addi %mul3A_83, %add3A_1240 : i32
      %get3A_1242 = arith.index_cast %add3A_1241 : i32 to index
      %get3A_1243 = tpu.vector_load %arg7[%get3A_1242] {strides = array<i32>} : memref<16384xf32, #tpu.memory_space<vmem>>, vector<16xf32>,
      %mul3A_1244 = arith.mulf %get3A_1243, %mul3A_568 : vector<16xf32>
      %add3A_1245 = arith.constant 192 : i32
      %add3A_1246 = arith.addi %mul3A_83, %add3A_1245 : i32
      %swap3A_1247 = arith.index_cast %add3A_1246 : i32 to index
      %swap3A_1248 = tpu.vector_load %arg7[%swap3A_1247] {strides = array<i32>} : memref<16384xf32, #tpu.memory_space<vmem>>, vector<16xf32>,
      tpu.vector_store %arg7[%swap3A_1247], %mul3A_1244 {strides = array<i32>} : memref<16384xf32, #tpu.memory_space<vmem>>, vector<16xf32>,
      %add3A_1249 = arith.constant 192 : i32
      %add3A_1250 = arith.addi %mul3A_89, %add3A_1249 : i32
      %get3A_1251 = arith.index_cast %add3A_1250 : i32 to index
      %get3A_1252 = tpu.vector_load %arg7[%get3A_1251] {strides = array<i32>} : memref<16384xf32, #tpu.memory_space<vmem>>, vector<16xf32>,
      %mul3A_1253 = arith.mulf %get3A_1252, %mul3A_648 : vector<16xf32>
      %add3A_1254 = arith.constant 192 : i32
      %add3A_1255 = arith.addi %mul3A_89, %add3A_1254 : i32
      %swap3A_1256 = arith.index_cast %add3A_1255 : i32 to index
      %swap3A_1257 = tpu.vector_load %arg7[%swap3A_1256] {strides = array<i32>} : memref<16384xf32, #tpu.memory_space<vmem>>, vector<16xf32>,
      tpu.vector_store %arg7[%swap3A_1256], %mul3A_1253 {strides = array<i32>} : memref<16384xf32, #tpu.memory_space<vmem>>, vector<16xf32>,
      %add3A_1258 = arith.constant 192 : i32
      %add3A_1259 = arith.addi %mul3A_95, %add3A_1258 : i32
      %get3A_1260 = arith.index_cast %add3A_1259 : i32 to index
      %get3A_1261 = tpu.vector_load %arg7[%get3A_1260] {strides = array<i32>} : memref<16384xf32, #tpu.memory_space<vmem>>, vector<16xf32>,
      %mul3A_1262 = arith.mulf %get3A_1261, %mul3A_728 : vector<16xf32>
      %add3A_1263 = arith.constant 192 : i32
      %add3A_1264 = arith.addi %mul3A_95, %add3A_1263 : i32
      %swap3A_1265 = arith.index_cast %add3A_1264 : i32 to index
      %swap3A_1266 = tpu.vector_load %arg7[%swap3A_1265] {strides = array<i32>} : memref<16384xf32, #tpu.memory_space<vmem>>, vector<16xf32>,
      tpu.vector_store %arg7[%swap3A_1265], %mul3A_1262 {strides = array<i32>} : memref<16384xf32, #tpu.memory_space<vmem>>, vector<16xf32>,
      %add3A_1267 = arith.constant 192 : i32
      %add3A_1268 = arith.addi %mul3A_101, %add3A_1267 : i32
      %get3A_1269 = arith.index_cast %add3A_1268 : i32 to index
      %get3A_1270 = tpu.vector_load %arg7[%get3A_1269] {strides = array<i32>} : memref<16384xf32, #tpu.memory_space<vmem>>, vector<16xf32>,
      %mul3A_1271 = arith.mulf %get3A_1270, %mul3A_808 : vector<16xf32>
      %add3A_1272 = arith.constant 192 : i32
      %add3A_1273 = arith.addi %mul3A_101, %add3A_1272 : i32
      %swap3A_1274 = arith.index_cast %add3A_1273 : i32 to index
      %swap3A_1275 = tpu.vector_load %arg7[%swap3A_1274] {strides = array<i32>} : memref<16384xf32, #tpu.memory_space<vmem>>, vector<16xf32>,
      tpu.vector_store %arg7[%swap3A_1274], %mul3A_1271 {strides = array<i32>} : memref<16384xf32, #tpu.memory_space<vmem>>, vector<16xf32>,
      %add3A_1276 = arith.constant 208 : i32
      %add3A_1277 = arith.addi %mul3A_83, %add3A_1276 : i32
      %get3A_1278 = arith.index_cast %add3A_1277 : i32 to index
      %get3A_1279 = tpu.vector_load %arg7[%get3A_1278] {strides = array<i32>} : memref<16384xf32, #tpu.memory_space<vmem>>, vector<16xf32>,
      %mul3A_1280 = arith.mulf %get3A_1279, %mul3A_568 : vector<16xf32>
      %add3A_1281 = arith.constant 208 : i32
      %add3A_1282 = arith.addi %mul3A_83, %add3A_1281 : i32
      %swap3A_1283 = arith.index_cast %add3A_1282 : i32 to index
      %swap3A_1284 = tpu.vector_load %arg7[%swap3A_1283] {strides = array<i32>} : memref<16384xf32, #tpu.memory_space<vmem>>, vector<16xf32>,
      tpu.vector_store %arg7[%swap3A_1283], %mul3A_1280 {strides = array<i32>} : memref<16384xf32, #tpu.memory_space<vmem>>, vector<16xf32>,
      %add3A_1285 = arith.constant 208 : i32
      %add3A_1286 = arith.addi %mul3A_89, %add3A_1285 : i32
      %get3A_1287 = arith.index_cast %add3A_1286 : i32 to index
      %get3A_1288 = tpu.vector_load %arg7[%get3A_1287] {strides = array<i32>} : memref<16384xf32, #tpu.memory_space<vmem>>, vector<16xf32>,
      %mul3A_1289 = arith.mulf %get3A_1288, %mul3A_648 : vector<16xf32>
      %add3A_1290 = arith.constant 208 : i32
      %add3A_1291 = arith.addi %mul3A_89, %add3A_1290 : i32
      %swap3A_1292 = arith.index_cast %add3A_1291 : i32 to index
      %swap3A_1293 = tpu.vector_load %arg7[%swap3A_1292] {strides = array<i32>} : memref<16384xf32, #tpu.memory_space<vmem>>, vector<16xf32>,
      tpu.vector_store %arg7[%swap3A_1292], %mul3A_1289 {strides = array<i32>} : memref<16384xf32, #tpu.memory_space<vmem>>, vector<16xf32>,
      %add3A_1294 = arith.constant 208 : i32
      %add3A_1295 = arith.addi %mul3A_95, %add3A_1294 : i32
      %get3A_1296 = arith.index_cast %add3A_1295 : i32 to index
      %get3A_1297 = tpu.vector_load %arg7[%get3A_1296] {strides = array<i32>} : memref<16384xf32, #tpu.memory_space<vmem>>, vector<16xf32>,
      %mul3A_1298 = arith.mulf %get3A_1297, %mul3A_728 : vector<16xf32>
      %add3A_1299 = arith.constant 208 : i32
      %add3A_1300 = arith.addi %mul3A_95, %add3A_1299 : i32
      %swap3A_1301 = arith.index_cast %add3A_1300 : i32 to index
      %swap3A_1302 = tpu.vector_load %arg7[%swap3A_1301] {strides = array<i32>} : memref<16384xf32, #tpu.memory_space<vmem>>, vector<16xf32>,
      tpu.vector_store %arg7[%swap3A_1301], %mul3A_1298 {strides = array<i32>} : memref<16384xf32, #tpu.memory_space<vmem>>, vector<16xf32>,
      %add3A_1303 = arith.constant 208 : i32
      %add3A_1304 = arith.addi %mul3A_101, %add3A_1303 : i32
      %get3A_1305 = arith.index_cast %add3A_1304 : i32 to index
      %get3A_1306 = tpu.vector_load %arg7[%get3A_1305] {strides = array<i32>} : memref<16384xf32, #tpu.memory_space<vmem>>, vector<16xf32>,
      %mul3A_1307 = arith.mulf %get3A_1306, %mul3A_808 : vector<16xf32>
      %add3A_1308 = arith.constant 208 : i32
      %add3A_1309 = arith.addi %mul3A_101, %add3A_1308 : i32
      %swap3A_1310 = arith.index_cast %add3A_1309 : i32 to index
      %swap3A_1311 = tpu.vector_load %arg7[%swap3A_1310] {strides = array<i32>} : memref<16384xf32, #tpu.memory_space<vmem>>, vector<16xf32>,
      tpu.vector_store %arg7[%swap3A_1310], %mul3A_1307 {strides = array<i32>} : memref<16384xf32, #tpu.memory_space<vmem>>, vector<16xf32>,
      %add3A_1312 = arith.constant 224 : i32
      %add3A_1313 = arith.addi %mul3A_83, %add3A_1312 : i32
      %get3A_1314 = arith.index_cast %add3A_1313 : i32 to index
      %get3A_1315 = tpu.vector_load %arg7[%get3A_1314] {strides = array<i32>} : memref<16384xf32, #tpu.memory_space<vmem>>, vector<16xf32>,
      %mul3A_1316 = arith.mulf %get3A_1315, %mul3A_568 : vector<16xf32>
      %add3A_1317 = arith.constant 224 : i32
      %add3A_1318 = arith.addi %mul3A_83, %add3A_1317 : i32
      %swap3A_1319 = arith.index_cast %add3A_1318 : i32 to index
      %swap3A_1320 = tpu.vector_load %arg7[%swap3A_1319] {strides = array<i32>} : memref<16384xf32, #tpu.memory_space<vmem>>, vector<16xf32>,
      tpu.vector_store %arg7[%swap3A_1319], %mul3A_1316 {strides = array<i32>} : memref<16384xf32, #tpu.memory_space<vmem>>, vector<16xf32>,
      %add3A_1321 = arith.constant 224 : i32
      %add3A_1322 = arith.addi %mul3A_89, %add3A_1321 : i32
      %get3A_1323 = arith.index_cast %add3A_1322 : i32 to index
      %get3A_1324 = tpu.vector_load %arg7[%get3A_1323] {strides = array<i32>} : memref<16384xf32, #tpu.memory_space<vmem>>, vector<16xf32>,
      %mul3A_1325 = arith.mulf %get3A_1324, %mul3A_648 : vector<16xf32>
      %add3A_1326 = arith.constant 224 : i32
      %add3A_1327 = arith.addi %mul3A_89, %add3A_1326 : i32
      %swap3A_1328 = arith.index_cast %add3A_1327 : i32 to index
      %swap3A_1329 = tpu.vector_load %arg7[%swap3A_1328] {strides = array<i32>} : memref<16384xf32, #tpu.memory_space<vmem>>, vector<16xf32>,
      tpu.vector_store %arg7[%swap3A_1328], %mul3A_1325 {strides = array<i32>} : memref<16384xf32, #tpu.memory_space<vmem>>, vector<16xf32>,
      %add3A_1330 = arith.constant 224 : i32
      %add3A_1331 = arith.addi %mul3A_95, %add3A_1330 : i32
      %get3A_1332 = arith.index_cast %add3A_1331 : i32 to index
      %get3A_1333 = tpu.vector_load %arg7[%get3A_1332] {strides = array<i32>} : memref<16384xf32, #tpu.memory_space<vmem>>, vector<16xf32>,
      %mul3A_1334 = arith.mulf %get3A_1333, %mul3A_728 : vector<16xf32>
      %add3A_1335 = arith.constant 224 : i32
      %add3A_1336 = arith.addi %mul3A_95, %add3A_1335 : i32
      %swap3A_1337 = arith.index_cast %add3A_1336 : i32 to index
      %swap3A_1338 = tpu.vector_load %arg7[%swap3A_1337] {strides = array<i32>} : memref<16384xf32, #tpu.memory_space<vmem>>, vector<16xf32>,
      tpu.vector_store %arg7[%swap3A_1337], %mul3A_1334 {strides = array<i32>} : memref<16384xf32, #tpu.memory_space<vmem>>, vector<16xf32>,
      %add3A_1339 = arith.constant 224 : i32
      %add3A_1340 = arith.addi %mul3A_101, %add3A_1339 : i32
      %get3A_1341 = arith.index_cast %add3A_1340 : i32 to index
      %get3A_1342 = tpu.vector_load %arg7[%get3A_1341] {strides = array<i32>} : memref<16384xf32, #tpu.memory_space<vmem>>, vector<16xf32>,
      %mul3A_1343 = arith.mulf %get3A_1342, %mul3A_808 : vector<16xf32>
      %add3A_1344 = arith.constant 224 : i32
      %add3A_1345 = arith.addi %mul3A_101, %add3A_1344 : i32
      %swap3A_1346 = arith.index_cast %add3A_1345 : i32 to index
      %swap3A_1347 = tpu.vector_load %arg7[%swap3A_1346] {strides = array<i32>} : memref<16384xf32, #tpu.memory_space<vmem>>, vector<16xf32>,
      tpu.vector_store %arg7[%swap3A_1346], %mul3A_1343 {strides = array<i32>} : memref<16384xf32, #tpu.memory_space<vmem>>, vector<16xf32>,
      %add3A_1348 = arith.constant 240 : i32
      %add3A_1349 = arith.addi %mul3A_83, %add3A_1348 : i32
      %get3A_1350 = arith.index_cast %add3A_1349 : i32 to index
      %get3A_1351 = tpu.vector_load %arg7[%get3A_1350] {strides = array<i32>} : memref<16384xf32, #tpu.memory_space<vmem>>, vector<16xf32>,
      %mul3A_1352 = arith.mulf %get3A_1351, %mul3A_568 : vector<16xf32>
      %add3A_1353 = arith.constant 240 : i32
      %add3A_1354 = arith.addi %mul3A_83, %add3A_1353 : i32
      %swap3A_1355 = arith.index_cast %add3A_1354 : i32 to index
      %swap3A_1356 = tpu.vector_load %arg7[%swap3A_1355] {strides = array<i32>} : memref<16384xf32, #tpu.memory_space<vmem>>, vector<16xf32>,
      tpu.vector_store %arg7[%swap3A_1355], %mul3A_1352 {strides = array<i32>} : memref<16384xf32, #tpu.memory_space<vmem>>, vector<16xf32>,
      %add3A_1357 = arith.constant 240 : i32
      %add3A_1358 = arith.addi %mul3A_89, %add3A_1357 : i32
      %get3A_1359 = arith.index_cast %add3A_1358 : i32 to index
      %get3A_1360 = tpu.vector_load %arg7[%get3A_1359] {strides = array<i32>} : memref<16384xf32, #tpu.memory_space<vmem>>, vector<16xf32>,
      %mul3A_1361 = arith.mulf %get3A_1360, %mul3A_648 : vector<16xf32>
      %add3A_1362 = arith.constant 240 : i32
      %add3A_1363 = arith.addi %mul3A_89, %add3A_1362 : i32
      %swap3A_1364 = arith.index_cast %add3A_1363 : i32 to index
      %swap3A_1365 = tpu.vector_load %arg7[%swap3A_1364] {strides = array<i32>} : memref<16384xf32, #tpu.memory_space<vmem>>, vector<16xf32>,
      tpu.vector_store %arg7[%swap3A_1364], %mul3A_1361 {strides = array<i32>} : memref<16384xf32, #tpu.memory_space<vmem>>, vector<16xf32>,
      %add3A_1366 = arith.constant 240 : i32
      %add3A_1367 = arith.addi %mul3A_95, %add3A_1366 : i32
      %get3A_1368 = arith.index_cast %add3A_1367 : i32 to index
      %get3A_1369 = tpu.vector_load %arg7[%get3A_1368] {strides = array<i32>} : memref<16384xf32, #tpu.memory_space<vmem>>, vector<16xf32>,
      %mul3A_1370 = arith.mulf %get3A_1369, %mul3A_728 : vector<16xf32>
      %add3A_1371 = arith.constant 240 : i32
      %add3A_1372 = arith.addi %mul3A_95, %add3A_1371 : i32
      %swap3A_1373 = arith.index_cast %add3A_1372 : i32 to index
      %swap3A_1374 = tpu.vector_load %arg7[%swap3A_1373] {strides = array<i32>} : memref<16384xf32, #tpu.memory_space<vmem>>, vector<16xf32>,
      tpu.vector_store %arg7[%swap3A_1373], %mul3A_1370 {strides = array<i32>} : memref<16384xf32, #tpu.memory_space<vmem>>, vector<16xf32>,
      %add3A_1375 = arith.constant 240 : i32
      %add3A_1376 = arith.addi %mul3A_101, %add3A_1375 : i32
      %get3A_1377 = arith.index_cast %add3A_1376 : i32 to index
      %get3A_1378 = tpu.vector_load %arg7[%get3A_1377] {strides = array<i32>} : memref<16384xf32, #tpu.memory_space<vmem>>, vector<16xf32>,
      %mul3A_1379 = arith.mulf %get3A_1378, %mul3A_808 : vector<16xf32>
      %add3A_1380 = arith.constant 240 : i32
      %add3A_1381 = arith.addi %mul3A_101, %add3A_1380 : i32
      %swap3A_1382 = arith.index_cast %add3A_1381 : i32 to index
      %swap3A_1383 = tpu.vector_load %arg7[%swap3A_1382] {strides = array<i32>} : memref<16384xf32, #tpu.memory_space<vmem>>, vector<16xf32>,
      tpu.vector_store %arg7[%swap3A_1382], %mul3A_1379 {strides = array<i32>} : memref<16384xf32, #tpu.memory_space<vmem>>, vector<16xf32>,
    }
    %scan3A_74 = arith.constant 16 : i32
    %mul3A_75 = arith.constant 256 : i32
    %mul3A_76 = arith.muli %mul3A_2, %mul3A_75 : i32
    "tpu.region"() ({
      %run_scoped3A = tpu.sem_alloc : memref<!tpu.dma_semaphore, #tpu.memory_space<semaphore_mem>>
      %dma_start3A_77 = tpu.memref_slice %arg4[%mul3A_76] : memref<524288xf32, #tpu.memory_space<hbm>> -> memref<16384xf32, #tpu.memory_space<hbm>>
      %dma_start3A_78 = tpu.memref_slice %arg4[%mul3A_76] : memref<524288xf32, #tpu.memory_space<hbm>> -> memref<16384xf32, #tpu.memory_space<hbm>>
      tpu.enqueue_dma source(%arg7 : memref<16384xf32, #tpu.memory_space<vmem>>) target(%dma_start3A_78 : memref<16384xf32, #tpu.memory_space<hbm>>) target_semaphore(%run_scoped3A : memref<!tpu.dma_semaphore, #tpu.memory_space<semaphore_mem>>)
      %dma_wait3A_79 = tpu.memref_slice %arg4[%mul3A_76] : memref<524288xf32, #tpu.memory_space<hbm>> -> memref<16384xf32, #tpu.memory_space<hbm>>
      %dma_wait3A_80 = tpu.memref_slice %arg4[%mul3A_76] : memref<524288xf32, #tpu.memory_space<hbm>> -> memref<16384xf32, #tpu.memory_space<hbm>>
      tpu.wait_dma2 semaphore(%run_scoped3A : memref<!tpu.dma_semaphore, #tpu.memory_space<semaphore_mem>>) src(%arg7 : memref<16384xf32, #tpu.memory_space<vmem>>) dst(%dma_wait3A_80 : memref<16384xf32, #tpu.memory_space<hbm>>)
      tpu.yield
    }) : () -> ()
    return
  }
}

</mosaic_0001>

<sc_bundles>
// kernel: kernel.3.cloned.1.call-start
scs
__scs_entry_jumppad:
0x0: {  	(pc) =	sbr.rel $0x88, $3  }
0x1: {  	(tag) =	ssettag $0x0;
	lr =	simm.s32 $0x1  }
0x2: {  	[smem:$0x3F9F] =	sst lr;
	_ =	strace $0xD0000000  }
0x3: {  	_ = 	snop  }
0x4: {  	_ = 	snop  }
0x5: {  	_ = 	snop  }
0x6: {  	_ = 	snop  }
0x7: {  	_ = 	snop  }
__scs_overlays_trampoline_lowered:
0x8: {  	[smem:$0x3FAE] =	sst s0  }
0x9: {  	[smem:$0x3FAF] =	sst s1  }
0xa: {  	[smem:$0x3FB0] =	sst s2  }
0xb: {  	[smem:$0x3FB1] =	sst s3  }
0xc: {  	[smem:$0x3FB2] =	sst s4  }
0xd: {  	[smem:$0x3FB3] =	sst s5  }
0xe: {  	[smem:$0x3FB4] =	sst s6  }
0xf: {  	[smem:$0x3FB5] =	sst s7  }
0x10: {  	[smem:$0x3FB6] =	sst s8  }
0x11: {  	[smem:$0x3FB7] =	sst s9;
	s0 =	simm.s32 @!p0 $0x0  }
0x12: {  	s1 =	sld [smem:$0x3F9D];
	s0 =	simm.s32 @p0 $0x1  }
0x13: {  	[smem:$0x3FB8] =	sst s0;
	s0 =	simm.s32 @!p1 $0x0  }
0x14: {  	s2 =	sld [smem:$0x3F9C];
	s0 =	simm.s32 @p1 $0x1  }
0x15: {  	[smem:$0x3FB9] =	sst s0;
	s0 =	simm.s32 @!p2 $0x0  }
0x16: {  	s3 =	sld [smem:$0x3FDB];
	s0 =	simm.s32 @p2 $0x1  }
0x17: {  	s4 =	simm.s32 $0x1BF5;
	[smem:$0x3FBB] =	sst s0  }
0x18: {  	s0 =	sld [smem:$0x3F9E];
	_ =	swait.ge [sflag:s4], $0x0  }
0x19: {  	s7 =	sld [smem:$0x3F9F]  }
0x1a: {  	s8 =	sadd.s32 $0xFFFFE003, lr  }
0x1b: {  	s9 =	sadd.s32 $0xFFFFFEF7, lr;
	s5 =	simm.s32 $0xFFFFFFFF;
	p2 =	slt.u32 s8, $0xFFFFF086  }
0x1c: {  	p1 =	slt.u32 s9, $0xF7A;
	s5 =	simm.s32 @!p2 $0x0  }
0x1d: {  	s5 =	simm.s32 @p1 $0x1;
	p0 =	seq.s32 s7, s2  }
0x1e: {  	s7 =	smul.u32 @!p0 $0xF7A, s2;
	p2 =	seq.s32 @!p0 s5, $0x0  }
0x1f: {  	s9 =	smul.u32 $0xF7A, s1;
	s8 =	simm.s32 @!p0 $0x1BF5;
	p2 =	por !p2, p0  }
0x20: {  	[sflag:s8] =	ssyncset.s32 @!p0 $0xFFFFF086;
	s6 =	sadd.s32 @!p0 s3, s7;
	s7 =	simm.s32 @!p0 $0x108  }
0x21: {  	s3 =	sadd.s32 s3, s9;
	s6 =	sadd.s32 @!p0 $0x88, s6;
	s7 =	simm.s32 @p2 $0x1082  }
0x22: {  	[simem:s7], [sflag:s8] =	dma.local @!p0 [hbm:s6], $0xF7A  }
0x23: {  	s9 =	sor.u32 $0xD0000000, s2;
	s6 =	simm.s32 $0x108;
	_ =	swait.ge @!p0 [sflag:s8], $0x0  }
0x24: {  	s3 =	sadd.s32 $0x88, s3;
	s6 =	simm.s32 @!p1 $0x1082;
	[sflag:s4] =	ssyncset.s32 $0xFFFFF086  }
0x25: {  	[simem:s6], [sflag:s4] =	dma.local [hbm:s3], $0xF7A  }
0x26: {  	[smem:$0x3F9F] =	sst s1;
	(tag) =	ssettag s2;
	_ =	strace s9  }
0x27: {  	s1 =	sld [smem:$0x3FAF]  }
0x28: {  	s2 =	sld [smem:$0x3FB0]  }
0x29: {  	s4 =	sld [smem:$0x3FB2]  }
0x2a: {  	p0 =	seq.s32 s5, $0x0;
	s5 =	sld [smem:$0x3FB3]  }
0x2b: {  	s6 =	sld [smem:$0x3FB4]  }
0x2c: {  	s7 =	sld [smem:$0x3FB5]  }
0x2d: {  	s3 =	simm.s32 $0x108;
	s8 =	sld [smem:$0x3FB6]  }
0x2e: {  	s3 =	simm.s32 @!p0 $0x1082;
	s9 =	sld [smem:$0x3FB7]  }
0x2f: {  	lr =	sadd.s32 s0, s3;
	s0 =	sld [smem:$0x3FAE]  }
0x30: {  	s3 =	sld [smem:$0x3FB1]  }
0x31: {  	[smem:$0x3FBA] =	sst s10  }
0x32: {  	s10 =	sld [smem:$0x3FB8];
	_ =	sdelay $0x3  }
0x33: {  	p0 =	seq.s32 s10, $0x1;
	s10 =	sld [smem:$0x3FBA];
	_ =	sdelay $0x3  }
0x34: {  	[smem:$0x3FBA] =	sst s10  }
0x35: {  	s10 =	sld [smem:$0x3FB9];
	_ =	sdelay $0x3  }
0x36: {  	p1 =	seq.s32 s10, $0x1;
	s10 =	sld [smem:$0x3FBA];
	_ =	sdelay $0x3  }
0x37: {  	[smem:$0x3FBA] =	sst s10  }
0x38: {  	s10 =	sld [smem:$0x3FBB]  }
0x39: {  	_ = 	snop;
	(pc) =	sbr.ind lr, $3  }
0x3a: {  	_ = 	snop  }
0x3b: {  	_ = 	snop  }
0x3c: {  	p2 =	seq.s32 s10, $0x1;
	s10 =	sld [smem:$0x3FBA]  }
0x3d: {  	_ =	shalt  }
0x3e: {  	_ =	shalt  }
0x3f: {  	_ =	shalt  }
0x40: {  	_ =	shalt  }
0x41: {  	_ =	shalt  }
0x42: {  	_ =	shalt  }
0x43: {  	_ =	shalt  }
0x44: {  	_ =	shalt  }
0x45: {  	_ =	shalt  }
0x46: {  	_ =	shalt  }
0x47: {  	_ =	shalt  }
0x48: {  	_ =	shalt  }
0x49: {  	_ =	shalt  }
0x4a: {  	_ =	shalt  }
0x4b: {  	_ =	shalt  }
0x4c: {  	_ =	shalt  }
0x4d: {  	_ =	shalt  }
0x4e: {  	_ =	shalt  }
0x4f: {  	_ =	shalt  }
0x50: {  	_ =	shalt  }
0x51: {  	_ =	shalt  }
0x52: {  	_ =	shalt  }
0x53: {  	_ =	shalt  }
0x54: {  	_ =	shalt  }
0x55: {  	_ =	shalt  }
0x56: {  	_ =	shalt  }
0x57: {  	_ =	shalt  }
0x58: {  	_ =	shalt  }
0x59: {  	_ =	shalt  }
0x5a: {  	_ =	shalt  }
0x5b: {  	_ =	shalt  }
0x5c: {  	_ =	shalt  }
0x5d: {  	_ =	shalt  }
0x5e: {  	_ =	shalt  }
0x5f: {  	_ =	shalt  }
0x60: {  	_ =	shalt  }
0x61: {  	_ =	shalt  }
0x62: {  	_ =	shalt  }
0x63: {  	_ =	shalt  }
0x64: {  	_ =	shalt  }
0x65: {  	_ =	shalt  }
0x66: {  	_ =	shalt  }
0x67: {  	_ =	shalt  }
0x68: {  	_ =	shalt  }
0x69: {  	_ =	shalt  }
0x6a: {  	_ =	shalt  }
0x6b: {  	_ =	shalt  }
0x6c: {  	_ =	shalt  }
0x6d: {  	_ =	shalt  }
0x6e: {  	_ =	shalt  }
0x6f: {  	_ =	shalt  }
0x70: {  	_ =	shalt  }
0x71: {  	_ =	shalt  }
0x72: {  	_ =	shalt  }
0x73: {  	_ =	shalt  }
0x74: {  	_ =	shalt  }
0x75: {  	_ =	shalt  }
0x76: {  	_ =	shalt  }
0x77: {  	_ =	shalt  }
0x78: {  	_ =	shalt  }
0x79: {  	_ =	shalt  }
0x7a: {  	_ =	shalt  }
0x7b: {  	_ =	shalt  }
0x7c: {  	_ =	shalt  }
0x7d: {  	_ =	shalt  }
0x7e: {  	_ =	shalt  }
0x7f: {  	_ =	shalt  }
0x80: {  	_ =	shalt  }
0x81: {  	_ =	shalt  }
0x82: {  	_ =	shalt  }
0x83: {  	_ =	shalt  }
0x84: {  	_ =	shalt  }
0x85: {  	_ =	shalt  }
0x86: {  	_ =	shalt  }
0x87: {  	_ =	shalt  }
.Lfunc_end0:
.L_simem_size_0:
called_computation_lowered:
.L_overlay_start_0:
0x88: {  	s2 =	sld [smem:$0x3FD9]  }
0x89: {  	s3 =	sld [smem:$0x3FFE];
	_ =	sdelay $0x1  }
0x8a: {  	s1 =	srdreg.scid  }
0x8b: {  	s0 =	sand.u32 $0x1, s1  }
0x8c: {  	s14 =	sshll.u32 s0, $0xA;
	s2 =	sadd.s32 s3, s2  }
0x8d: {  	s2 =	sadd.s32 s2, s14  }
0x8e: {  	[smem:$0x3FC6] =	sst s2  }
0x8f: {  	_ = 	snop  }
0x90: {  	s2 =	sld [smem:$0x3FD0];
	_ =	sdelay $0x2  }
0x91: {  	s4 =	simm.s32 $0xA;
	s5 =	simm.s32 $0x10;
	s15 =	sld [smem:$0x3FC9]  }
0x92: {  	[smem:s5], [sflag:s4] =	dma.local [hbm:s2], $0x1  }
0x93: {  	_ =	swait.eq [sflag:s4], $0x1  }
0x94: {  	[sflag:s4] =	ssyncset.done $0x0  }
0x95: {  	[sflag:s4] =	ssyncadd.s32 $0xFFFFFFFF  }
0x96: {  	s16 =	sld [smem:$0x11];
	(tm) =	ssettm $0x1  }
0x97: {  	s17 =	sld [smem:$0x3FFB];
	_ =	sdelay $0x3  }
0x98: {  	_ =	strace s17  }
0x99: {  	s4 =	sld [smem:$0x3FFC];
	_ =	sdelay $0x3  }
0x9a: {  	_ =	strace s4  }
0x9b: {  	s4 =	sld [smem:$0x3FFD];
	_ =	sdelay $0x3  }
0x9c: {  	_ =	strace s4  }
0x9d: {  	_ =	strace $0x8FFFFFFF  }
0x9e: {  	s18 =	sld [smem:$0x3FDB];
	_ =	sdelay $0x1  }
0x9f: {  	s19 =	simm.s32 $_scs_section_size  }
0xa0: {  	s6 =	simm.s32 $_size__tile_overlayer_lowered;
	s7 =	simm.s32 $_tile_overlayer_lowered  }
0xa1: {  	s22 =	simm.s32 $0x1BFF;
	s21 =	sshll.u32 s7, $0x1;
	s4 =	sadd.s32 s19, s18  }
0xa2: {  	s8 =	simm.s32 $0x0;
	s20 =	sshll.u32 s6, $0x1;
	s6 =	sadd.s32 s21, s4  }
0xa3: {  	[timem:s8], [sflag:s22] =	dma.local [hbm:s6], s20  }
0xa4: {  	_ =	swait.ge [sflag:s22], s20  }
0xa5: {  	s5 =	ssub.s32 $0x0, s20;
	[sflag:s22] =	ssyncset.done $0x0  }
0xa6: {  	[sflag:s22] =	ssyncadd.s32 s5;
	_ =	sdelay $0x1  }
0xa7: {  	s23 =	simm.s32 $0x1B8B  }
0xa8: {  	_ =	swait.ge [sflag:s23], $0x1  }
0xa9: {  	[sflag:s23] =	ssyncset.done $0x0  }
0xaa: {  	s25 =	simm.s32 $0x1B8E;
	s24 =	sld [smem:$0x3FFE];
	[sflag:s23] =	ssyncadd.s32 $0xFFFFFFFF  }
0xab: {  	s26 =	simm.s32 $execute0_lowered;
	[smem:$0x3FD2] =	sst s25  }
0xac: {  	s6 =	sshll.u32 s26, $0x1;
	_ =	strace $0x80000046;
	[dreg:$0x1] =	wrdreg $0xFFFFFFFF  }
0xad: {  	s28 =	simm.s32 $_size_execute0_lowered;
	s4 =	sadd.s32 s4, s6;
	[dreg:$0x0] =	wrdreg $0x0  }
0xae: {  	s6 =	sshll.u32 s28, $0x1;
	[dreg:$0x2] =	wrdreg s4  }
0xaf: {  	[dreg:$0x3] =	wrdreg s6  }
0xb0: {  	[dreg:$0x4] =	wrdreg $0xC0  }
0xb1: {  	_ =	task [dreg:s8], $0x5FFFF  }
0xb2: {  	[dreg:$0x1] =	wrdreg $0xFFFFFFFF  }
0xb3: {  	[dreg:$0x0] =	wrdreg $0x60  }
0xb4: {  	[dreg:$0x2] =	wrdreg s15  }
0xb5: {  	[dreg:$0x3] =	wrdreg s16  }
0xb6: {  	[dreg:$0x4] =	wrdreg s24  }
0xb7: {  	[dreg:$0x5] =	wrdreg $0x9  }
0xb8: {  	_ =	task.clear_ibuf [dreg:s8], $0x6FFFF;
	_ =	strace $0x90000046  }
0xb9: {  	s29 =	simm.s32 $0x9;
	_ =	strace $0x80000048  }
0xba: {  	_ =	swait.ge [sflag:s29], $0x1  }
0xbb: {  	[sflag:s29] =	ssyncadd.s32 $0xFFFFFFFF  }
0xbc: {  	_ =	strace $0x90000048  }
0xbd: {  	_ =	sfence  }
0xbe: {  	s30 =	sld [smem:$0x0];
	_ =	sdelay $0x2  }
0xbf: {  	s31 =	sshll.u32 s1, $0xD;
	s1 =	sshrl.u32 s1, $0x2  }
0xc0: {  	s3 =	sand.u32 $0x4000, s31;
	s1 =	sadd.s32 s1, s30  }
0xc1: {  	s0 =	sor.u32 s3, s0;
	s1 =	sshll.u32 s1, $0x11  }
0xc2: {  	s0 =	sor.u32 s1, s0  }
0xc3: {  	s0 =	sadd.s32 $0x8F2B, s0  }
0xc4: {  	[sflag:s0] =	ssyncadd.remote.s32 $0x1  }
0xc5: {  	_ =	sfence.sel $0xFFFF  }
0xc6: {  	[dreg:$0x0] =	wrdreg $0xFFFFFFFF;
	(pc) =	sbr.abs _section_cstart, $3  }
0xc7: {  	[dreg:$0x1] =	wrdreg $0xFFFFFFFF  }
0xc8: {  	_ =	task.clear_ibuf [dreg:s8], $0x2FFFF;
	_ =	strace $0x9FFFFFFF  }
0xc9: {  	(tm) =	ssettm $0x7FFFFFFF  }
tec
execute0_lowered:
.L_overlay_start_1:
0x0: {  	(tag) =	ssettag $0x1  }
0x1: {  	s1 =	rddreg [dreg:$0x0]  }
0x2: {  	s4 =	rddreg [dreg:$0x1]  }
0x3: {  	s5 =	rddreg [dreg:$0x2]  }
0x4: {  	s0 =	rddreg [dreg:$0x3]  }
0x5: {  	s6 =	srdreg.scid;
	s2 =	stileid.u32  }
0x6: {  	s3 =	simm.s32 $0x0;
	s11 =	simm.s32 $0x1;
	s12 =	simm.s32 $0x0  }
0x7: {  	s6 =	sand.u32 $0x1, s6;
	s7 =	sshll.u32 s2, $0x1;
	[smem:$0x7FF] =	sst s3  }
0x8: {  	v0 =	vlaneseq.u32;
	s30 =	sshll.u32 s2, $0x3;
	s31 =	sshll.u32 s2, $0x15;
	s7 =	sor.u32 s6, s7  }
0x9: {  	v0 =	vmul.u32 $0x4000, v0;
	s6 =	ssub.s32 $0x2, s6;
	_ =	strace $0x80000047;
	s10 =	sand.u32 $0x1C00000, s31  }
0xa: {  	s8 =	sshll.u32 s7, $0xB;
	s9 =	sshrl.u32 s6, $0x1;
	s7 =	sshll.u32 s7, $0x3  }
0xb: {  	v3 =	vor.u32 s10, v0;
	s10 =	simm.s32 $0x4080;
	s5 =	sadd.s32 s8, s5;
	s6 =	ssub.s32 s6, s9  }
0xc: {  	s8 =	sand.u32 $0x60, s30;
	s7 =	sand.u32 $0x18, s7;
	s9 =	simm.s32 $0x80  }
0xd: {  	s4 =	sadd.s32 s4, s8;
	s5 =	sadd.s32 $0x600, s5;
	s6 =	smax.u32 s6, $0x1  }
0xe: {  	[tilespmem:$0x1FFF0] =	vst v3;
	s8 =	simm.s32 $0x4000;
	s4 =	sadd.s32 s7, s4;
	s7 =	simm.s32 $0x2  }
.LBB2_1:
0xf: {  	[tilespmem:s3], [sflag:$0x2] =	stream.linear.gather [hbm4b:s4+s3], $0x40, $0x38;
	[tilespmem:$0x8080] =	vst v63  }
0x10: {  	_ =	swait.ge [sflag:s7], $0x40  }
0x11: {  	[sflag:s7] =	ssyncset.done $0x0  }
0x12: {  	s13 =	simm.s32 $0x280;
	s14 =	simm.s32 $0x0;
	[sflag:s7] =	ssyncadd.s32 $0xFFFFFFC0  }
.LBB2_2:
0x13: {  	v0 =	vmov s14  }
0x14: {  	v0 =	vand.u32 $0xFFFFFFFC, v0  }
0x15: {  	v0 =	vbroadcast v0, $0x0;
	_ =	sdelay $0x5  }
0x16: {  	v0 =	vld.idx.msk [tilespmem:v0+s3+$0x0], $0xffff;
	_ =	sdelay $0x4  }
0x17: {  	v0 =	vadd.s32 v3, v0  }
0x18: {  	[tilespmem:s13+$0xFFFFFE00] =	vst v0;
	v1 =	vadd.s32 $0x40000, v0  }
0x19: {  	[tilespmem:s13+$0xFFFFFE10] =	vst v1;
	v1 =	vadd.s32 $0x80000, v0  }
0x1a: {  	[tilespmem:s13+$0xFFFFFE20] =	vst v1;
	v1 =	vadd.s32 $0xC0000, v0  }
0x1b: {  	[tilespmem:s13+$0xFFFFFE30] =	vst v1;
	v1 =	vadd.s32 $0x100000, v0  }
0x1c: {  	[tilespmem:s13+$0xFFFFFE40] =	vst v1;
	v1 =	vadd.s32 $0x140000, v0  }
0x1d: {  	[tilespmem:s13+$0xFFFFFE50] =	vst v1;
	v1 =	vadd.s32 $0x180000, v0  }
0x1e: {  	[tilespmem:s13+$0xFFFFFE60] =	vst v1;
	v1 =	vadd.s32 $0x1C0000, v0  }
0x1f: {  	s15 =	sadd.s32 $0x1, s14;
	[tilespmem:s13+$0xFFFFFE70] =	vst v1;
	v1 =	vadd.s32 $0x200000, v0  }
0x20: {  	v2 =	vmov s15;
	[tilespmem:s13+$0xFFFFFE80] =	vst v1;
	v1 =	vadd.s32 $0x240000, v0  }
0x21: {  	v2 =	vand.u32 $0xFFFFFFFD, v2;
	[tilespmem:s13+$0xFFFFFE90] =	vst v1;
	v1 =	vadd.s32 $0x280000, v0  }
0x22: {  	v2 =	vbroadcast v2, $0x0;
	[tilespmem:s13+$0xFFFFFEA0] =	vst v1;
	v1 =	vadd.s32 $0x2C0000, v0  }
0x23: {  	[tilespmem:s13+$0xFFFFFEB0] =	vst v1;
	v1 =	vadd.s32 $0x300000, v0  }
0x24: {  	[tilespmem:s13+$0xFFFFFEC0] =	vst v1;
	v1 =	vadd.s32 $0x340000, v0  }
0x25: {  	[tilespmem:s13+$0xFFFFFED0] =	vst v1;
	v1 =	vadd.s32 $0x380000, v0  }
0x26: {  	v0 =	vadd.s32 $0x3C0000, v0;
	[tilespmem:s13+$0xFFFFFEE0] =	vst v1  }
0x27: {  	[tilespmem:s13+$0xFFFFFEF0] =	vst v0  }
0x28: {  	v0 =	vld.idx.msk [tilespmem:v2+s3+$0x0], $0xffff;
	_ =	sdelay $0x4  }
0x29: {  	v0 =	vadd.s32 v3, v0  }
0x2a: {  	[tilespmem:s13+$0xFFFFFF00] =	vst v0;
	v1 =	vadd.s32 $0x40000, v0  }
0x2b: {  	[tilespmem:s13+$0xFFFFFF10] =	vst v1;
	v1 =	vadd.s32 $0x80000, v0  }
0x2c: {  	[tilespmem:s13+$0xFFFFFF20] =	vst v1;
	v1 =	vadd.s32 $0xC0000, v0  }
0x2d: {  	[tilespmem:s13+$0xFFFFFF30] =	vst v1;
	v1 =	vadd.s32 $0x100000, v0  }
0x2e: {  	[tilespmem:s13+$0xFFFFFF40] =	vst v1;
	v1 =	vadd.s32 $0x140000, v0  }
0x2f: {  	[tilespmem:s13+$0xFFFFFF50] =	vst v1;
	v1 =	vadd.s32 $0x180000, v0  }
0x30: {  	[tilespmem:s13+$0xFFFFFF60] =	vst v1;
	v1 =	vadd.s32 $0x1C0000, v0  }
0x31: {  	s30 =	sadd.s32 $0x2, s14;
	[tilespmem:s13+$0xFFFFFF70] =	vst v1;
	v1 =	vadd.s32 $0x200000, v0  }
0x32: {  	v2 =	vmov s30;
	[tilespmem:s13+$0xFFFFFF80] =	vst v1;
	v1 =	vadd.s32 $0x240000, v0  }
0x33: {  	v2 =	vand.u32 $0xFFFFFFFE, v2;
	[tilespmem:s13+$0xFFFFFF90] =	vst v1;
	v1 =	vadd.s32 $0x280000, v0  }
0x34: {  	v2 =	vbroadcast v2, $0x0;
	[tilespmem:s13+$0xFFFFFFA0] =	vst v1;
	v1 =	vadd.s32 $0x2C0000, v0  }
0x35: {  	[tilespmem:s13+$0xFFFFFFB0] =	vst v1;
	v1 =	vadd.s32 $0x300000, v0  }
0x36: {  	[tilespmem:s13+$0xFFFFFFC0] =	vst v1;
	v1 =	vadd.s32 $0x340000, v0  }
0x37: {  	[tilespmem:s13+$0xFFFFFFD0] =	vst v1;
	v1 =	vadd.s32 $0x380000, v0  }
0x38: {  	v0 =	vadd.s32 $0x3C0000, v0;
	[tilespmem:s13+$0xFFFFFFE0] =	vst v1  }
0x39: {  	[tilespmem:s13+$0xFFFFFFF0] =	vst v0  }
0x3a: {  	v0 =	vld.idx.msk [tilespmem:v2+s3+$0x0], $0xffff;
	_ =	sdelay $0x4  }
0x3b: {  	v0 =	vadd.s32 v3, v0  }
0x3c: {  	[tilespmem:s13+$0x0] =	vst v0;
	v1 =	vadd.s32 $0x40000, v0  }
0x3d: {  	[tilespmem:s13+$0x10] =	vst v1;
	v1 =	vadd.s32 $0x80000, v0  }
0x3e: {  	[tilespmem:s13+$0x20] =	vst v1;
	v1 =	vadd.s32 $0xC0000, v0  }
0x3f: {  	[tilespmem:s13+$0x30] =	vst v1;
	v1 =	vadd.s32 $0x100000, v0  }
0x40: {  	[tilespmem:s13+$0x40] =	vst v1;
	v1 =	vadd.s32 $0x140000, v0  }
0x41: {  	[tilespmem:s13+$0x50] =	vst v1;
	v1 =	vadd.s32 $0x180000, v0  }
0x42: {  	[tilespmem:s13+$0x60] =	vst v1;
	v1 =	vadd.s32 $0x1C0000, v0  }
0x43: {  	[tilespmem:s13+$0x70] =	vst v1;
	v1 =	vadd.s32 $0x200000, v0  }
0x44: {  	[tilespmem:s13+$0x80] =	vst v1;
	v1 =	vadd.s32 $0x240000, v0  }
0x45: {  	[tilespmem:s13+$0x90] =	vst v1;
	v1 =	vadd.s32 $0x280000, v0  }
0x46: {  	s31 =	sadd.s32 $0x3, s14;
	[tilespmem:s13+$0xA0] =	vst v1;
	v1 =	vadd.s32 $0x2C0000, v0  }
0x47: {  	v2 =	vmov s31;
	[tilespmem:s13+$0xB0] =	vst v1;
	v1 =	vadd.s32 $0x300000, v0  }
0x48: {  	[tilespmem:s13+$0xC0] =	vst v1;
	v1 =	vadd.s32 $0x340000, v0  }
0x49: {  	[tilespmem:s13+$0xD0] =	vst v1;
	v1 =	vadd.s32 $0x380000, v0  }
0x4a: {  	v0 =	vadd.s32 $0x3C0000, v0;
	[tilespmem:s13+$0xE0] =	vst v1  }
0x4b: {  	[tilespmem:s13+$0xF0] =	vst v0  }
0x4c: {  	v0 =	vld.idx.msk [tilespmem:v2+s3+$0x0], $0xffff;
	_ =	sdelay $0x4  }
0x4d: {  	v0 =	vadd.s32 v3, v0  }
0x4e: {  	[tilespmem:s13+$0x100] =	vst v0;
	v1 =	vadd.s32 $0x40000, v0  }
0x4f: {  	[tilespmem:s13+$0x110] =	vst v1;
	v1 =	vadd.s32 $0x80000, v0  }
0x50: {  	[tilespmem:s13+$0x120] =	vst v1;
	v1 =	vadd.s32 $0xC0000, v0  }
0x51: {  	[tilespmem:s13+$0x130] =	vst v1;
	v1 =	vadd.s32 $0x100000, v0  }
0x52: {  	[tilespmem:s13+$0x140] =	vst v1;
	v1 =	vadd.s32 $0x140000, v0  }
0x53: {  	[tilespmem:s13+$0x150] =	vst v1;
	v1 =	vadd.s32 $0x180000, v0  }
0x54: {  	[tilespmem:s13+$0x160] =	vst v1;
	v1 =	vadd.s32 $0x1C0000, v0  }
0x55: {  	[tilespmem:s13+$0x170] =	vst v1;
	v1 =	vadd.s32 $0x200000, v0  }
0x56: {  	[tilespmem:s13+$0x180] =	vst v1;
	v1 =	vadd.s32 $0x240000, v0  }
0x57: {  	[tilespmem:s13+$0x190] =	vst v1;
	v1 =	vadd.s32 $0x280000, v0  }
0x58: {  	p0 =	sne.s32 s14, $0x3C;
	[tilespmem:s13+$0x1A0] =	vst v1;
	v1 =	vadd.s32 $0x2C0000, v0  }
.Ltmp0:
0x59: {  	[tilespmem:s13+$0x1B0] =	vst v1;
	v1 =	vadd.s32 $0x300000, v0;
	(pc) =	sbr.rel @p0 .LBB2_2-.Ltmp0, $4  }
0x5a: {  	[tilespmem:s13+$0x1C0] =	vst v1;
	v1 =	vadd.s32 $0x340000, v0  }
0x5b: {  	[tilespmem:s13+$0x1D0] =	vst v1;
	v1 =	vadd.s32 $0x380000, v0  }
0x5c: {  	v0 =	vadd.s32 $0x3C0000, v0;
	[tilespmem:s13+$0x1E0] =	vst v1  }
0x5d: {  	s14 =	sadd.s32 $0x4, s14;
	[tilespmem:s13+$0x1F0] =	vst v0;
	s13 =	sadd.s32 $0x400, s13  }
0x5e: {  	[tilespmem:s10], [sflag:$0x1] =	stream.indirect.gather [hbm4b:s1+s8], $0x1, s9, s8, $0xb8;
	[tilespmem:$0x8080] =	vst v63  }
0x5f: {  	_ =	swait.ge [sflag:s11], $0x4000  }
0x60: {  	[sflag:s11] =	ssyncset.done $0x0  }
0x61: {  	s13 =	simm.s32 $0x0;
	[sflag:s11] =	ssyncadd.s32 $0xFFFFC000  }
.LBB2_4:
0x62: {  	s14 =	sshra.s32 s13, $0x2  }
0x63: {  	v40 =	vld [tilespmem:s14+$0x4080]  }
0x64: {  	v39 =	vld [tilespmem:s14+$0x4180]  }
0x65: {  	v37 =	vld [tilespmem:s14+$0x4280]  }
0x66: {  	v36 =	vld [tilespmem:s14+$0x4380]  }
0x67: {  	v34 =	vld [tilespmem:s14+$0x4090]  }
0x68: {  	v33 =	vld [tilespmem:s14+$0x4190]  }
0x69: {  	v31 =	vld [tilespmem:s14+$0x4290]  }
0x6a: {  	v30 =	vld [tilespmem:s14+$0x4390]  }
0x6b: {  	v28 =	vld [tilespmem:s14+$0x40A0]  }
0x6c: {  	v27 =	vld [tilespmem:s14+$0x41A0]  }
0x6d: {  	v25 =	vld [tilespmem:s14+$0x42A0]  }
0x6e: {  	v24 =	vld [tilespmem:s14+$0x43A0]  }
0x6f: {  	v22 =	vld [tilespmem:s14+$0x40B0]  }
0x70: {  	v21 =	vld [tilespmem:s14+$0x41B0]  }
0x71: {  	v19 =	vld [tilespmem:s14+$0x42B0]  }
0x72: {  	v18 =	vld [tilespmem:s14+$0x43B0]  }
0x73: {  	v16 =	vld [tilespmem:s14+$0x40C0]  }
0x74: {  	v15 =	vld [tilespmem:s14+$0x41C0]  }
0x75: {  	v13 =	vld [tilespmem:s14+$0x42C0]  }
0x76: {  	v12 =	vld [tilespmem:s14+$0x43C0]  }
0x77: {  	v10 =	vld [tilespmem:s14+$0x40D0]  }
0x78: {  	v9 =	vld [tilespmem:s14+$0x41D0]  }
0x79: {  	v7 =	vld [tilespmem:s14+$0x42D0]  }
0x7a: {  	v5 =	vld [tilespmem:s14+$0x43D0]  }
0x7b: {  	v3 =	vld [tilespmem:s14+$0x40E0]  }
0x7c: {  	v1 =	vld [tilespmem:s14+$0x41E0];
	v0 =	vmul.f32 v40, v40  }
0x7d: {  	v2 =	vld [tilespmem:s14+$0x42E0];
	v14 =	vmul.f32 v39, v39;
	v17 =	vmul.f32 v37, v37  }
0x7e: {  	v4 =	vld [tilespmem:s14+$0x43E0];
	v20 =	vmul.f32 v36, v36;
	v11 =	vmul.f32 v34, v34  }
0x7f: {  	v6 =	vld [tilespmem:s14+$0x40F0];
	v23 =	vmul.f32 v33, v33;
	v26 =	vmul.f32 v31, v31  }
0x80: {  	v8 =	vld [tilespmem:s14+$0x41F0];
	v29 =	vmul.f32 v30, v30;
	v32 =	vmul.f32 v28, v28  }
0x81: {  	v63 =	vld [tilespmem:s14+$0x43F0];
	v35 =	vmul.f32 v27, v27;
	v53 =	vmul.f32 v25, v25  }
0x82: {  	v38 =	vmul.f32 v24, v24;
	v41 =	vmul.f32 v22, v22;
	v0 =	vadd.f32 v11, v0;
	v11 =	vld [tilespmem:s14+$0x42F0]  }
0x83: {  	v42 =	vmul.f32 v21, v21;
	v23 =	vadd.f32 v23, v14;
	v26 =	vadd.f32 v26, v17;
	v17 =	vld [tilespmem:s14+$0x4100]  }
0x84: {  	v43 =	vmul.f32 v19, v19;
	v54 =	vmul.f32 v18, v18;
	v29 =	vadd.f32 v29, v20;
	v20 =	vld [tilespmem:s14+$0x4200]  }
0x85: {  	v55 =	vmul.f32 v16, v16;
	v56 =	vmul.f32 v15, v15;
	v35 =	vadd.f32 v35, v23;
	v23 =	vld [tilespmem:s14+$0x4300]  }
0x86: {  	v44 =	vmul.f32 v13, v13;
	v0 =	vadd.f32 v32, v0;
	v32 =	vadd.f32 v53, v26;
	v26 =	vld [tilespmem:s14+$0x4400]  }
0x87: {  	v45 =	vmul.f32 v12, v12;
	v46 =	vmul.f32 v10, v10;
	v38 =	vadd.f32 v38, v29;
	v29 =	vld [tilespmem:s14+$0x4110]  }
0x88: {  	v57 =	vmul.f32 v9, v9;
	v0 =	vadd.f32 v41, v0;
	v43 =	vadd.f32 v43, v32;
	v32 =	vld [tilespmem:s14+$0x4210]  }
0x89: {  	v58 =	vmul.f32 v7, v7;
	v42 =	vadd.f32 v42, v35;
	v41 =	vadd.f32 v54, v38;
	v35 =	vld [tilespmem:s14+$0x4310]  }
0x8a: {  	v59 =	vmul.f32 v5, v5;
	v48 =	vmul.f32 v3, v3;
	v38 =	vld [tilespmem:s14+$0x4410]  }
0x8b: {  	v49 =	vmul.f32 v1, v1;
	v42 =	vadd.f32 v56, v42;
	v45 =	vadd.f32 v45, v41;
	v41 =	vld [tilespmem:s14+$0x4120]  }
0x8c: {  	v50 =	vmul.f32 v2, v2;
	v0 =	vadd.f32 v55, v0;
	v43 =	vadd.f32 v44, v43;
	v44 =	vld [tilespmem:s14+$0x4420]  }
0x8d: {  	v60 =	vmul.f32 v4, v4;
	v61 =	vmul.f32 v6, v6;
	v47 =	vadd.f32 v57, v42;
	v42 =	vld [tilespmem:s14+$0x4220]  }
0x8e: {  	v62 =	vmul.f32 v8, v8;
	v0 =	vadd.f32 v46, v0;
	v46 =	vadd.f32 v58, v43;
	v43 =	vld [tilespmem:s14+$0x4320]  }
0x8f: {  	v53 =	vmul.f32 v63, v63;
	v52 =	vmul.f32 v11, v11;
	v51 =	vadd.f32 v59, v45;
	v45 =	vld [tilespmem:s14+$0x4130]  }
0x90: {  	[tilespmem:$0x1FFE0] =	vst v63;
	v54 =	vmul.f32 v17, v17;
	v63 =	vmul.f32 v20, v20;
	v50 =	vadd.f32 v50, v46;
	v46 =	vld [tilespmem:s14+$0x4230]  }
0x91: {  	[tilespmem:$0x1FFA0] =	vst v4;
	v4 =	vmul.f32 v23, v23;
	v0 =	vadd.f32 v48, v0;
	v49 =	vadd.f32 v49, v47;
	v47 =	vld [tilespmem:s14+$0x4330]  }
0x92: {  	[tilespmem:$0x1FFB0] =	vst v6;
	v6 =	vmul.f32 v26, v26;
	v56 =	vmul.f32 v29, v29;
	v51 =	vadd.f32 v60, v51;
	v48 =	vld [tilespmem:s14+$0x4430]  }
0x93: {  	[tilespmem:$0x1FF30] =	vst v10;
	v58 =	vmul.f32 v32, v32;
	v0 =	vadd.f32 v61, v0;
	v55 =	vadd.f32 v62, v49;
	v49 =	vld [tilespmem:s14+$0x4140]  }
0x94: {  	[tilespmem:$0x1FF50] =	vst v7;
	v59 =	vmul.f32 v35, v35;
	v7 =	vmul.f32 v38, v38;
	v52 =	vadd.f32 v52, v50;
	v50 =	vld [tilespmem:s14+$0x4240]  }
0x95: {  	[tilespmem:$0x1FFC0] =	vst v8;
	v8 =	vmul.f32 v41, v41;
	v53 =	vadd.f32 v53, v51;
	v51 =	vld [tilespmem:s14+$0x4340];
	v0 =	vadd.f32 v54, v0  }
0x96: {  	[tilespmem:$0x1FF60] =	vst v5;
	v10 =	vmul.f32 v44, v44;
	v5 =	vadd.f32 v63, v55;
	v57 =	vadd.f32 v4, v52;
	v52 =	vld [tilespmem:s14+$0x4440]  }
0x97: {  	[tilespmem:$0x1FF40] =	vst v9;
	v9 =	vmul.f32 v42, v42;
	v61 =	vmul.f32 v43, v43;
	v55 =	vadd.f32 v6, v53;
	v53 =	vld [tilespmem:s14+$0x4150]  }
0x98: {  	v62 =	vmul.f32 v45, v45;
	v54 =	vld [tilespmem:s14+$0x4250];
	v0 =	vadd.f32 v56, v0;
	v58 =	vadd.f32 v58, v5  }
0x99: {  	[tilespmem:$0x1FFD0] =	vst v11;
	v11 =	vmul.f32 v46, v46;
	v57 =	vadd.f32 v59, v57;
	v60 =	vadd.f32 v7, v55;
	v55 =	vld [tilespmem:s14+$0x4350]  }
0x9a: {  	[tilespmem:$0x1FF00] =	vst v15;
	v14 =	vmul.f32 v47, v47;
	v15 =	vmul.f32 v48, v48;
	v56 =	vld [tilespmem:s14+$0x4160];
	v0 =	vadd.f32 v8, v0  }
0x9b: {  	[tilespmem:$0x1FF20] =	vst v12;
	v59 =	vld [tilespmem:s14+$0x4260];
	v12 =	vmul.f32 v49, v49;
	v63 =	vadd.f32 v9, v58;
	v61 =	vadd.f32 v61, v57  }
0x9c: {  	v60 =	vadd.f32 v10, v60;
	v58 =	vld [tilespmem:s14+$0x4450];
	v9 =	vmul.f32 v50, v50;
	v0 =	vadd.f32 v62, v0  }
0x9d: {  	[tilespmem:$0x1FF10] =	vst v13;
	v57 =	vld [tilespmem:s14+$0x4170];
	v13 =	vadd.f32 v11, v63;
	v63 =	vadd.f32 v14, v61;
	v11 =	vmul.f32 v51, v51  }
0x9e: {  	[tilespmem:$0x1FEF0] =	vst v16;
	v10 =	vmul.f32 v53, v53;
	v6 =	vadd.f32 v15, v60;
	v61 =	vld [tilespmem:s14+$0x4360];
	v16 =	vadd.f32 v12, v0  }
0x9f: {  	v14 =	vmul.f32 v52, v52;
	v15 =	vmul.f32 v54, v54;
	v60 =	vadd.f32 v11, v63;
	v63 =	vld [tilespmem:s14+$0x4460]  }
0xa0: {  	[tilespmem:$0x1FF70] =	vst v3;
	v12 =	vadd.f32 v9, v13;
	v13 =	vmul.f32 v56, v56;
	v3 =	vadd.f32 v10, v16;
	v16 =	vld [tilespmem:s14+$0x4270]  }
0xa1: {  	v62 =	vld [tilespmem:s14+$0x4370];
	v9 =	vmul.f32 v55, v55;
	v11 =	vmul.f32 v59, v59  }
0xa2: {  	[tilespmem:$0x1FF80] =	vst v1;
	v10 =	vmul.f32 v57, v57;
	v1 =	vadd.f32 v15, v12;
	v15 =	vld [tilespmem:s14+$0x4470];
	v4 =	vadd.f32 v13, v3  }
0xa3: {  	[tilespmem:$0x1FF90] =	vst v2;
	v6 =	vadd.f32 v14, v6;
	v2 =	vadd.f32 v9, v60;
	v12 =	vmul.f32 v58, v58  }
0xa4: {  	v1 =	vadd.f32 v11, v1;
	v13 =	vmul.f32 v61, v61;
	v3 =	vadd.f32 v10, v4  }
0xa5: {  	v8 =	vmul.f32 v63, v63;
	v4 =	vadd.f32 v12, v6;
	v14 =	vmul.f32 v16, v16  }
0xa6: {  	v9 =	vmul.f32 v62, v62;
	v2 =	vadd.f32 v13, v2;
	(xrf2) =	vadd.scan.msk.f32 $0xffff, v3  }
0xa7: {  	v10 =	vmul.f32 v15, v15;
	v3 =	vadd.f32 v8, v4;
	v1 =	vadd.f32 v14, v1  }
0xa8: {  	v2 =	vadd.f32 v9, v2  }
0xa9: {  	v11 =	vadd.f32 v10, v3;
	(xrf2) =	vadd.scan.msk.f32 $0xffff, v1  }
0xaa: {  	(xrf2) =	vadd.scan.msk.f32 $0xffff, v2  }
0xab: {  	(xrf2) =	vadd.scan.msk.f32 $0xffff, v11;
	_ =	sdelay $0x4  }
0xac: {  	v12, _, _ =	vpop (xrf2)  }
0xad: {  	v14 =	vbroadcast v12, $0xF;
	_ =	sdelay $0x1  }
0xae: {  	v13, _, _ =	vpop (xrf2);
	v60 =	vshrl.u32 v14, $0x1;
	v10 =	vmul.f32 $5.000000000e-01, v14  }
0xaf: {  	v3 =	vsub.s32 $0x5F3759DF, v60;
	v13 =	vbroadcast v13, $0xF;
	v2, _, _ =	vpop (xrf2)  }
0xb0: {  	v6 =	vmul.f32 v3, v10;
	v12 =	vbroadcast v2, $0xF;
	v7, _, _ =	vpop (xrf2)  }
0xb1: {  	v5 =	vshrl.u32 v13, $0x1;
	v8 =	vmul.f32 $5.000000000e-01, v13;
	v11 =	vbroadcast v7, $0xF  }
0xb2: {  	v9 =	vmul.f32 v3, v6;
	v60 =	vsub.s32 $0x5F3759DF, v5;
	v0 =	vshrl.u32 v12, $0x1  }
0xb3: {  	v7 =	vmul.f32 $5.000000000e-01, v12;
	v2 =	vmul.f32 v60, v8;
	v0 =	vsub.s32 $0x5F3759DF, v0  }
0xb4: {  	v1 =	vshrl.u32 v11, $0x1;
	v6 =	vmul.f32 $5.000000000e-01, v11;
	v9 =	vsub.f32 $1.500000000e+00, v9  }
0xb5: {  	v1 =	vsub.s32 $0x5F3759DF, v1;
	v5 =	vmul.f32 v60, v2;
	v2 =	vmul.f32 v0, v7  }
0xb6: {  	v4 =	vmul.f32 v1, v6;
	v3 =	vmul.f32 v3, v9  }
0xb7: {  	v5 =	vsub.f32 $1.500000000e+00, v5;
	v2 =	vmul.f32 v0, v2  }
0xb8: {  	v4 =	vmul.f32 v1, v4;
	v9 =	vmul.f32 v3, v10  }
0xb9: {  	v5 =	vmul.f32 v60, v5;
	v2 =	vsub.f32 $1.500000000e+00, v2  }
0xba: {  	v4 =	vsub.f32 $1.500000000e+00, v4;
	v60 =	vmul.f32 v9, v3  }
0xbb: {  	v0 =	vmul.f32 v0, v2;
	v2 =	vmul.f32 v5, v8  }
0xbc: {  	v1 =	vmul.f32 v1, v4;
	v4 =	vsub.f32 $1.500000000e+00, v60  }
0xbd: {  	v2 =	vmul.f32 v2, v5;
	v9 =	vmul.f32 v0, v7  }
0xbe: {  	v60 =	vmul.f32 v1, v6;
	v3 =	vmul.f32 v4, v3  }
0xbf: {  	v2 =	vsub.f32 $1.500000000e+00, v2;
	v9 =	vmul.f32 v9, v0  }
0xc0: {  	v4 =	vmul.f32 v60, v1;
	v60 =	vmul.f32 v3, v10  }
0xc1: {  	v2 =	vmul.f32 v2, v5  }
0xc2: {  	v5 =	vsub.f32 $1.500000000e+00, v9;
	v4 =	vsub.f32 $1.500000000e+00, v4;
	v60 =	vmul.f32 v60, v3  }
0xc3: {  	v10 =	vmul.f32 v2, v8  }
0xc4: {  	v0 =	vmul.f32 v5, v0;
	v1 =	vmul.f32 v4, v1;
	v4 =	vsub.f32 $1.500000000e+00, v60  }
0xc5: {  	v5 =	vmul.f32 v10, v2  }
0xc6: {  	v7 =	vmul.f32 v0, v7;
	v3 =	vmul.f32 v4, v3  }
0xc7: {  	v6 =	vmul.f32 v1, v6;
	v5 =	vsub.f32 $1.500000000e+00, v5  }
0xc8: {  	v7 =	vmul.f32 v7, v0;
	v3 =	vmul.f32 v3, v14  }
0xc9: {  	v8 =	vmul.f32 v6, v1;
	v2 =	vmul.f32 v5, v2  }
0xca: {  	v9 =	vsub.f32 $1.500000000e+00, v7;
	v3 =	vadd.f32 $1.000000010e-07, v3  }
0xcb: {  	v4 =	vsub.f32 $1.500000000e+00, v8;
	v2 =	vmul.f32 v2, v13  }
0xcc: {  	v0 =	vmul.f32 v9, v0;
	v10 =	vshrl.u32 v3, $0x1;
	v3 =	vmul.f32 $5.000000000e-01, v3  }
0xcd: {  	v1 =	vmul.f32 v4, v1;
	v4 =	vsub.s32 $0x5F3759DF, v10  }
0xce: {  	v0 =	vmul.f32 v0, v12;
	v2 =	vadd.f32 $1.000000010e-07, v2;
	v13 =	vmul.f32 v4, v3  }
0xcf: {  	v1 =	vmul.f32 v1, v11  }
0xd0: {  	v0 =	vadd.f32 $1.000000010e-07, v0;
	v11 =	vshrl.u32 v2, $0x1;
	v7 =	vmul.f32 v4, v13  }
0xd1: {  	v2 =	vmul.f32 $5.000000000e-01, v2;
	v5 =	vsub.s32 $0x5F3759DF, v11  }
0xd2: {  	v12 =	vshrl.u32 v0, $0x1;
	v0 =	vmul.f32 $5.000000000e-01, v0;
	v7 =	vsub.f32 $1.500000000e+00, v7  }
0xd3: {  	v1 =	vadd.f32 $1.000000010e-07, v1;
	v60 =	vmul.f32 v5, v2;
	v6 =	vsub.s32 $0x5F3759DF, v12  }
0xd4: {  	v12 =	vmul.f32 v6, v0;
	v4 =	vmul.f32 v4, v7  }
0xd5: {  	v14 =	vshrl.u32 v1, $0x1;
	v1 =	vmul.f32 $5.000000000e-01, v1;
	v9 =	vmul.f32 v5, v60  }
0xd6: {  	v8 =	vsub.s32 $0x5F3759DF, v14;
	v10 =	vmul.f32 v6, v12;
	v12 =	vmul.f32 v4, v3  }
0xd7: {  	v13 =	vmul.f32 v8, v1  }
0xd8: {  	v9 =	vsub.f32 $1.500000000e+00, v9;
	v7 =	vmul.f32 v12, v4  }
0xd9: {  	v11 =	vmul.f32 v8, v13;
	v14 =	vsub.f32 $1.500000000e+00, v10  }
0xda: {  	v5 =	vmul.f32 v5, v9;
	v7 =	vsub.f32 $1.500000000e+00, v7  }
0xdb: {  	v60 =	vsub.f32 $1.500000000e+00, v11;
	v6 =	vmul.f32 v6, v14  }
0xdc: {  	v13 =	vmul.f32 v5, v2;
	v4 =	vmul.f32 v7, v4  }
0xdd: {  	v8 =	vmul.f32 v8, v60;
	v14 =	vmul.f32 v6, v0  }
0xde: {  	v9 =	vmul.f32 v13, v5;
	v3 =	vmul.f32 v4, v3  }
0xdf: {  	v60 =	vmul.f32 v8, v1;
	v10 =	vmul.f32 v14, v6  }
0xe0: {  	v9 =	vsub.f32 $1.500000000e+00, v9;
	v3 =	vmul.f32 v3, v4  }
0xe1: {  	v11 =	vmul.f32 v60, v8;
	v12 =	vsub.f32 $1.500000000e+00, v10  }
0xe2: {  	v5 =	vmul.f32 v9, v5;
	v3 =	vsub.f32 $1.500000000e+00, v3  }
0xe3: {  	v13 =	vsub.f32 $1.500000000e+00, v11;
	v6 =	vmul.f32 v12, v6  }
0xe4: {  	v2 =	vmul.f32 v5, v2;
	v3 =	vmul.f32 v3, v4  }
0xe5: {  	v14 =	vmul.f32 v13, v8;
	v0 =	vmul.f32 v6, v0  }
0xe6: {  	v2 =	vmul.f32 v2, v5;
	v3 =	vmul.f32 v3, v3  }
0xe7: {  	v1 =	vmul.f32 v14, v1;
	v0 =	vmul.f32 v0, v6  }
0xe8: {  	v2 =	vsub.f32 $1.500000000e+00, v2;
	v60 =	vmul.f32 v3, v40  }
0xe9: {  	v1 =	vmul.f32 v1, v14;
	v0 =	vsub.f32 $1.500000000e+00, v0;
	v11 =	vmul.f32 v3, v34  }
0xea: {  	v2 =	vmul.f32 v2, v5;
	v28 =	vmul.f32 v3, v28;
	[tilespmem:s14+$0x4080] =	vst v60  }
0xeb: {  	v1 =	vsub.f32 $1.500000000e+00, v1;
	v34 =	vmul.f32 v3, v22;
	v0 =	vmul.f32 v0, v6;
	[tilespmem:s14+$0x4090] =	vst v11  }
0xec: {  	v2 =	vmul.f32 v2, v2;
	[tilespmem:s14+$0x40A0] =	vst v28;
	v28 =	vmul.f32 v3, v17  }
0xed: {  	v1 =	vmul.f32 v1, v14;
	[tilespmem:s14+$0x40B0] =	vst v34;
	v34 =	vmul.f32 v3, v29  }
0xee: {  	v0 =	vmul.f32 v0, v0;
	v8 =	vmul.f32 v2, v39;
	[tilespmem:s14+$0x4100] =	vst v28  }
0xef: {  	v1 =	vmul.f32 v1, v1;
	v12 =	vmul.f32 v2, v33;
	[tilespmem:s14+$0x4110] =	vst v34  }
0xf0: {  	v9 =	vmul.f32 v0, v37;
	[tilespmem:s14+$0x4180] =	vst v8  }
0xf1: {  	v10 =	vmul.f32 v1, v36;
	[tilespmem:s14+$0x4190] =	vst v12  }
0xf2: {  	v13 =	vmul.f32 v0, v31;
	[tilespmem:s14+$0x4280] =	vst v9  }
0xf3: {  	v14 =	vmul.f32 v1, v30;
	[tilespmem:s14+$0x4380] =	vst v10  }
0xf4: {  	v30 =	vmul.f32 v2, v27;
	[tilespmem:s14+$0x4290] =	vst v13  }
0xf5: {  	v40 =	vld [tilespmem:$0x1FEF0];
	v31 =	vmul.f32 v0, v25;
	[tilespmem:s14+$0x4390] =	vst v14  }
0xf6: {  	v33 =	vmul.f32 v1, v24;
	[tilespmem:s14+$0x41A0] =	vst v30  }
0xf7: {  	v36 =	vmul.f32 v2, v21;
	[tilespmem:s14+$0x42A0] =	vst v31  }
0xf8: {  	v37 =	vmul.f32 v0, v19;
	[tilespmem:s14+$0x43A0] =	vst v33  }
0xf9: {  	v39 =	vmul.f32 v1, v18;
	[tilespmem:s14+$0x41B0] =	vst v36  }
0xfa: {  	v4 =	vmul.f32 v3, v40;
	[tilespmem:s14+$0x42B0] =	vst v37  }
0xfb: {  	v40 =	vmul.f32 v3, v41;
	[tilespmem:s14+$0x43B0] =	vst v39  }
0xfc: {  	v41 =	vmul.f32 v2, v42;
	[tilespmem:s14+$0x40C0] =	vst v4  }
0xfd: {  	v42 =	vmul.f32 v0, v43;
	[tilespmem:s14+$0x4120] =	vst v40  }
0xfe: {  	v43 =	vmul.f32 v1, v44;
	[tilespmem:s14+$0x4220] =	vst v41  }
0xff: {  	v44 =	vmul.f32 v3, v45;
	[tilespmem:s14+$0x4320] =	vst v42  }
0x100: {  	v45 =	vmul.f32 v2, v46;
	[tilespmem:s14+$0x4420] =	vst v43  }
0x101: {  	v46 =	vmul.f32 v0, v47;
	[tilespmem:s14+$0x4130] =	vst v44  }
0x102: {  	v47 =	vmul.f32 v1, v48;
	[tilespmem:s14+$0x4230] =	vst v45  }
0x103: {  	v48 =	vmul.f32 v3, v49;
	[tilespmem:s14+$0x4330] =	vst v46  }
0x104: {  	v49 =	vmul.f32 v2, v50;
	[tilespmem:s14+$0x4430] =	vst v47  }
0x105: {  	v50 =	vmul.f32 v0, v51;
	[tilespmem:s14+$0x4140] =	vst v48  }
0x106: {  	v51 =	vmul.f32 v1, v52;
	[tilespmem:s14+$0x4240] =	vst v49  }
0x107: {  	v52 =	vmul.f32 v3, v53;
	[tilespmem:s14+$0x4340] =	vst v50  }
0x108: {  	v53 =	vmul.f32 v2, v54;
	[tilespmem:s14+$0x4440] =	vst v51  }
0x109: {  	v60 =	vld [tilespmem:$0x1FF00];
	v54 =	vmul.f32 v0, v55;
	[tilespmem:s14+$0x4150] =	vst v52  }
0x10a: {  	v55 =	vmul.f32 v1, v58;
	[tilespmem:s14+$0x4250] =	vst v53  }
0x10b: {  	v58 =	vmul.f32 v3, v56;
	[tilespmem:s14+$0x4350] =	vst v54  }
0x10c: {  	v61 =	vmul.f32 v0, v61;
	[tilespmem:s14+$0x4450] =	vst v55  }
0x10d: {  	v63 =	vmul.f32 v1, v63;
	[tilespmem:s14+$0x4160] =	vst v58  }
0x10e: {  	v5 =	vmul.f32 v2, v60;
	[tilespmem:s14+$0x4360] =	vst v61  }
0x10f: {  	v30 =	vmul.f32 v2, v20;
	[tilespmem:s14+$0x4460] =	vst v63  }
0x110: {  	v31 =	vmul.f32 v0, v23;
	[tilespmem:s14+$0x41C0] =	vst v5  }
0x111: {  	v8 =	vld [tilespmem:$0x1FF10];
	v33 =	vmul.f32 v1, v26;
	[tilespmem:s14+$0x4200] =	vst v30  }
0x112: {  	v9 =	vld [tilespmem:$0x1FF20];
	v36 =	vmul.f32 v2, v32;
	[tilespmem:s14+$0x4300] =	vst v31  }
0x113: {  	v10 =	vld [tilespmem:$0x1FF30];
	v37 =	vmul.f32 v0, v35;
	[tilespmem:s14+$0x4400] =	vst v33  }
0x114: {  	v11 =	vld [tilespmem:$0x1FF40];
	v39 =	vmul.f32 v1, v38;
	[tilespmem:s14+$0x4210] =	vst v36  }
0x115: {  	v12 =	vld [tilespmem:$0x1FF50];
	v60 =	vmul.f32 v2, v59;
	[tilespmem:s14+$0x4310] =	vst v37  }
0x116: {  	v13 =	vld [tilespmem:$0x1FF60];
	[tilespmem:s14+$0x4410] =	vst v39;
	v4 =	vmul.f32 v0, v8  }
0x117: {  	v14 =	vld [tilespmem:$0x1FF70];
	[tilespmem:s14+$0x4260] =	vst v60;
	v5 =	vmul.f32 v1, v9  }
0x118: {  	v18 =	vld [tilespmem:$0x1FF80];
	[tilespmem:s14+$0x42C0] =	vst v4;
	v4 =	vmul.f32 v3, v10  }
0x119: {  	v19 =	vld [tilespmem:$0x1FF90];
	[tilespmem:s14+$0x43C0] =	vst v5;
	v5 =	vmul.f32 v2, v11  }
0x11a: {  	v21 =	vld [tilespmem:$0x1FFA0];
	[tilespmem:s14+$0x40D0] =	vst v4;
	v4 =	vmul.f32 v0, v12  }
0x11b: {  	v22 =	vld [tilespmem:$0x1FFB0];
	[tilespmem:s14+$0x41D0] =	vst v5;
	v5 =	vmul.f32 v1, v13  }
0x11c: {  	[tilespmem:s14+$0x42D0] =	vst v4;
	v4 =	vmul.f32 v3, v14  }
0x11d: {  	v24 =	vld [tilespmem:$0x1FFC0];
	[tilespmem:s14+$0x43D0] =	vst v5;
	v5 =	vmul.f32 v2, v18  }
0x11e: {  	v25 =	vld [tilespmem:$0x1FFD0];
	[tilespmem:s14+$0x40E0] =	vst v4;
	v4 =	vmul.f32 v0, v19  }
0x11f: {  	[tilespmem:s14+$0x41E0] =	vst v5;
	v5 =	vmul.f32 v1, v21  }
0x120: {  	[tilespmem:s14+$0x42E0] =	vst v4;
	v4 =	vmul.f32 v3, v22  }
0x121: {  	v27 =	vld [tilespmem:$0x1FFE0];
	v3 =	vmul.f32 v3, v57;
	[tilespmem:s14+$0x43E0] =	vst v5  }
0x122: {  	v5 =	vmul.f32 v2, v24;
	[tilespmem:s14+$0x40F0] =	vst v4  }
0x123: {  	v4 =	vmul.f32 v0, v25;
	[tilespmem:s14+$0x4170] =	vst v3  }
0x124: {  	p0 =	sne.s32 s13, $0xF000;
	v2 =	vmul.f32 v2, v16;
	[tilespmem:s14+$0x41F0] =	vst v5  }
.Ltmp1:
0x125: {  	v0 =	vmul.f32 v0, v62;
	[tilespmem:s14+$0x42F0] =	vst v4;
	(pc) =	sbr.rel @p0 .LBB2_4-.Ltmp1, $4  }
0x126: {  	v5 =	vmul.f32 v1, v27;
	[tilespmem:s14+$0x4270] =	vst v2  }
0x127: {  	v1 =	vmul.f32 v1, v15;
	[tilespmem:s14+$0x4370] =	vst v0  }
0x128: {  	[tilespmem:s14+$0x43F0] =	vst v5  }
0x129: {  	s13 =	sadd.s32 $0x1000, s13;
	[tilespmem:s14+$0x4470] =	vst v1  }
0x12a: {  	s12 =	sadd.s32 $0x1, s12  }
0x12b: {  	p0 =	sne.s32 s12, s6  }
.Ltmp2:
0x12c: {  	_ = 	snop;
	(pc) =	sbr.rel @p0 .LBB2_1-.Ltmp2, $4  }
0x12d: {  	[hbm4b:s5+s3] =	stream.linear.scatter [tilespmem:s10], [sflag:$0x2], $0x4000, $0x38;
	[tilespmem:$0x8080] =	vst v63  }
0x12e: {  	_ =	swait.ge [sflag:s7], $0x4000  }
0x12f: {  	[sflag:s7] =	ssyncset.done $0x0  }
0x130: {  	v3 =	vld [tilespmem:$0x1FFF0];
	[sflag:s7] =	ssyncadd.s32 $0xFFFFC000  }
0x131: {  	_ =	sfence.sel $0x180000  }
0x132: {  	[bflag:$0x0] =	sbarrier.arrive $0xFFFF  }
0x133: {  	p0 =	sne.s32 s2, $0x0;
	_ =	strace $0x90000047  }
0x134: {  	s0 =	sadd.s32 @!p0 $0x100000, s0;
	[bflag:$0x2] =	sbarrier.arrive $0xFFFF  }
0x135: {  	[sflag:s0] =	ssyncadd.tile.s32 @!p0 $0x1;
	_ =	shalt  }
.Lfunc_end2:
_tile_overlayer_lowered:
.L_overlay_start_2:
0x136: {  	(tag) =	ssettag $0x2  }
0x137: {  	s0 =	rddreg [dreg:$0x0];
	s2 =	stileid.u32  }
0x138: {  	s1 =	rddreg [dreg:$0x1];
	p0 =	sne.s32 s2, $0x0  }
0x139: {  	s3 =	rddreg [dreg:$0x2];
	[bflag:$0x3] =	sbarrier.arrive $0xFFFF;
	s2 =	simm.s32 @!p0 $0x1C02  }
0x13a: {  	[timem:s3], [sflag:s2] =	dma.local @!p0 [hbm:s0], s1  }
0x13b: {  	s0 =	simm.s32 @!p0 $0x2  }
0x13c: {  	_ =	swait.ge @!p0 [sflag:s0], s1  }
0x13d: {  	s1 =	ssub.s32 @!p0 $0x0, s1;
	[sflag:s0] =	ssyncset.done @!p0 $0x0  }
0x13e: {  	[sflag:s0] =	ssyncadd.s32 @!p0 s1  }
0x13f: {  	[bflag:$0x3] =	sbarrier.arrive $0xFFFF  }
0x140: {  	_ =	shalt  }

</sc_bundles>
